<compile_context>
chip_gen: v7x
topology: tpu7x:2x2x1
jax: 0.10.2.dev20260603
libtpu: 0.0.44.dev20260713+nightly
codegen_flags: <defaults>
</compile_context>

<pallas_src>
import functools

import jax
import jax.numpy as jnp
from jax import lax
from jax.experimental import pallas as pl
from jax.experimental.pallas import tpu as pltpu
from jax.experimental.pallas import tpu_sc as plsc

L = 16
UNROLL = 4


def _unpack_xy(w):
    x = plsc.bitcast(lax.shift_left(w, 16), jnp.float32)
    y = plsc.bitcast(w, jnp.float32)
    return x, y


def _make_sc_kernel(n_nodes, p, nw, chunk):
    per_w = p // nw
    nchunk = per_w // chunk
    mesh = plsc.VectorSubcoreMesh(core_axis_name="c", subcore_axis_name="s")

    @functools.partial(
        pl.kernel,
        out_type=jax.ShapeDtypeStruct((nw, L), jnp.float32),
        mesh=mesh,
        compiler_params=pltpu.CompilerParams(needs_layout_passes=False),
        scratch_types=[
            pltpu.VMEM((n_nodes,), jnp.int32),
            pltpu.VMEM((chunk,), jnp.int32),
            pltpu.VMEM((chunk,), jnp.int32),
            pltpu.VMEM((chunk,), jnp.int32),
            pltpu.VMEM((chunk,), jnp.int32),
            pltpu.VMEM((chunk,), jnp.int32),
            pltpu.VMEM((chunk,), jnp.int32),
            pltpu.VMEM((L,), jnp.float32),
            pltpu.SemaphoreType.DMA,
            pltpu.SemaphoreType.DMA,
            pltpu.SemaphoreType.DMA,
        ],
    )
    def sc_kernel(tbl_hbm, vi0_hbm, vi1_hbm, vi2_hbm, out_hbm,
                  tbl_v, a0, a1, a2, b0, b1, b2, acc_v, sem_a, sem_b, sem_t):
        wid = lax.axis_index("s") * 2 + lax.axis_index("c")
        base = wid * per_w
        tbl_cp = pltpu.async_copy(tbl_hbm, tbl_v, sem_t)

        def start3(off, d0, d1, d2, sem):
            pltpu.async_copy(vi0_hbm.at[pl.ds(off, chunk)], d0, sem)
            pltpu.async_copy(vi1_hbm.at[pl.ds(off, chunk)], d1, sem)
            pltpu.async_copy(vi2_hbm.at[pl.ds(off, chunk)], d2, sem)

        def wait3(d0, d1, d2, sem):
            pltpu.make_async_copy(vi0_hbm.at[pl.ds(0, chunk)], d0, sem).wait()
            pltpu.make_async_copy(vi1_hbm.at[pl.ds(0, chunk)], d1, sem).wait()
            pltpu.make_async_copy(vi2_hbm.at[pl.ds(0, chunk)], d2, sem).wait()

        def compute(idx0_v, idx1_v, idx2_v, acc):
            def one(s):
                i0 = idx0_v[pl.ds(s, L)]
                i1 = idx1_v[pl.ds(s, L)]
                i2 = idx2_v[pl.ds(s, L)]
                w0 = plsc.bitcast(plsc.load_gather(tbl_v, [i0]), jnp.bfloat16)
                w1 = plsc.bitcast(plsc.load_gather(tbl_v, [i1]), jnp.bfloat16)
                w2 = plsc.bitcast(plsc.load_gather(tbl_v, [i2]), jnp.bfloat16)
                ax, ay = _unpack_xy(plsc.bitcast(w1 - w0, jnp.int32))
                bx, by = _unpack_xy(plsc.bitcast(w2 - w0, jnp.int32))
                dot = ax * bx + ay * by
                crs = ax * by - ay * bx
                m = dot * dot + crs * crs
                p = plsc.bitcast(
                    jnp.int32(0x5EF7A3B2) - lax.shift_right_arithmetic(
                        plsc.bitcast(m, jnp.int32), 1),
                    jnp.float32)
                v = p * (jnp.float32(1.501) - m * (p * p))
                return dot * v

            def inner(s, acc):
                return acc + one(s)

            return plsc.parallel_loop(0, chunk, L, unroll=UNROLL, carry=acc)(inner)

        start3(base, a0, a1, a2, sem_a)
        tbl_cp.wait()

        def pair_body(h, acc):
            c = h * 2
            start3(base + (c + 1) * chunk, b0, b1, b2, sem_b)
            wait3(a0, a1, a2, sem_a)
            acc = compute(a0, a1, a2, acc)
            nxt = jnp.minimum(c + 2, nchunk - 1)
            start3(base + nxt * chunk, a0, a1, a2, sem_a)
            wait3(b0, b1, b2, sem_b)
            acc = compute(b0, b1, b2, acc)
            return acc

        acc = lax.fori_loop(0, nchunk // 2, pair_body,
                            jnp.zeros((L,), jnp.float32))
        wait3(a0, a1, a2, sem_a)
        acc_v[...] = acc * jnp.float32(1.4142135623730951)
        pltpu.sync_copy(acc_v, out_hbm.at[wid])

    return sc_kernel


def kernel(node_pos, vi0, vi1, vi2):
    n_nodes = node_pos.shape[0]
    p = vi0.shape[0]
    u = lax.bitcast_convert_type(node_pos.astype(jnp.bfloat16), jnp.uint16)
    packed = (u[:, 0].astype(jnp.uint32)
              | (u[:, 1].astype(jnp.uint32) << 16)).astype(jnp.int32)
    sc = _make_sc_kernel(n_nodes, p, nw=32, chunk=4096)
    partial = sc(packed, vi0, vi1, vi2)
    return jnp.sum(partial)

# --- scband reference (transcript-rebuilt; emitter-appended) ---
"""Pipeline reference for scband-cosine-angle-loss-87780541596379 (READ-ONLY COPY).

The authoritative reference and input builder live on the scoring server;
editing this copy changes nothing except your own understanding.
"""

import jax, jax.numpy as jnp
import numpy as np

N = 100000
P = 4194304

def setup_inputs(seed: int = 0) -> dict:
    key = jax.random.key(seed)
    k1, k2, k3, k4 = jax.random.split(key, 4)
    node_pos = jax.random.normal(k1, (N, 2), dtype=jnp.float32)
    vi0 = jax.random.randint(k2, (P,), 0, N, dtype=jnp.int32)
    # ensure vi1 != vi0 and vi2 != vi0 so edge vectors are nonzero (real angle
    # triplets from _get_angles always have distinct endpoints)
    vi1 = (vi0 + 1 + jax.random.randint(k3, (P,), 0, N - 1, dtype=jnp.int32)) % N
    vi2 = (vi0 + 1 + jax.random.randint(k4, (P,), 0, N - 1, dtype=jnp.int32)) % N
    return {"node_pos": node_pos, "vi0": vi0, "vi1": vi1, "vi2": vi2}


def _normalize(edge_vectors):
    # faithful to: edge_vectors / (edge_vectors**2).sum(dim=1).sqrt().repeat(2,1).t()
    norm = jnp.sqrt((edge_vectors ** 2).sum(axis=1))
    return edge_vectors / norm[:, None]


def reference(node_pos, vi0, vi1, vi2):
    # _get_real_edges/_get_angles are CPU-side numpy index construction on the
    # Batch object (independent of node_pos); the resulting angle triplets
    # (vi0, vi1, vi2) are passed in precomputed. The differentiable math below
    # is the faithful forward.
    e1 = _normalize(jnp.take(node_pos, vi1, axis=0) - jnp.take(node_pos, vi0, axis=0))
    e2 = _normalize(jnp.take(node_pos, vi2, axis=0) - jnp.take(node_pos, vi0, axis=0))
    return (e1 * e2).sum()

if __name__ == "__main__":
    import jax
    _d = setup_inputs()
    print(jax.jit(kernel)(*tuple(_d.values())))

</pallas_src>

<mosaic_0001>
#map = affine_map<(d0, d1) -> (0)>
#map1 = affine_map<(d0, d1) -> (0, 0)>
module attributes {stable_mosaic.version = 14 : i64} {
  func.func @sc_kernel(%arg0: i32, %arg1: i32, %arg2: memref<100000xi32, #tpu.memory_space<hbm>>, %arg3: memref<4194304xi32, #tpu.memory_space<hbm>>, %arg4: memref<4194304xi32, #tpu.memory_space<hbm>>, %arg5: memref<4194304xi32, #tpu.memory_space<hbm>>, %arg6: memref<32x16xf32, #tpu.memory_space<hbm>>, %arg7: memref<100000xi32, #tpu.memory_space<vmem>>, %arg8: memref<4096xi32, #tpu.memory_space<vmem>>, %arg9: memref<4096xi32, #tpu.memory_space<vmem>>, %arg10: memref<4096xi32, #tpu.memory_space<vmem>>, %arg11: memref<4096xi32, #tpu.memory_space<vmem>>, %arg12: memref<4096xi32, #tpu.memory_space<vmem>>, %arg13: memref<4096xi32, #tpu.memory_space<vmem>>, %arg14: memref<16xf32, #tpu.memory_space<vmem>>, %arg15: memref<!tpu.dma_semaphore, #tpu.memory_space<semaphore_mem>>, %arg16: memref<!tpu.dma_semaphore, #tpu.memory_space<semaphore_mem>>, %arg17: memref<!tpu.dma_semaphore, #tpu.memory_space<semaphore_mem>>) attributes {dimension_semantics = [#tpu.dimension_semantics<core_parallel>, #tpu.dimension_semantics<subcore_parallel>], iteration_bounds = array<i64: 2, 16>, scalar_prefetch = 0 : i64, scratch_operands = 11 : i64, tpu.core_type = #tpu.core_type<sc_vector_subcore>, window_params = [{transform_indices = #map}, {transform_indices = #map}, {transform_indices = #map}, {transform_indices = #map}, {transform_indices = #map1}]} {
    %mul3A = arith.constant 2 : i32
    %mul3A_0 = arith.muli %arg1, %mul3A : i32
    %add3A = arith.addi %mul3A_0, %arg0 : i32
    %mul3A_1 = arith.constant 131072 : i32
    %mul3A_2 = arith.muli %add3A, %mul3A_1 : i32
    tpu.enqueue_dma source(%arg2 : memref<100000xi32, #tpu.memory_space<hbm>>) target(%arg7 : memref<100000xi32, #tpu.memory_space<vmem>>) target_semaphore(%arg17 : memref<!tpu.dma_semaphore, #tpu.memory_space<semaphore_mem>>)
    %dma_start3A = tpu.memref_slice %arg3[%mul3A_2] : memref<4194304xi32, #tpu.memory_space<hbm>> -> memref<4096xi32, #tpu.memory_space<hbm>>
    %dma_start3A_3 = tpu.memref_slice %arg3[%mul3A_2] : memref<4194304xi32, #tpu.memory_space<hbm>> -> memref<4096xi32, #tpu.memory_space<hbm>>
    tpu.enqueue_dma source(%dma_start3A_3 : memref<4096xi32, #tpu.memory_space<hbm>>) target(%arg8 : memref<4096xi32, #tpu.memory_space<vmem>>) target_semaphore(%arg15 : memref<!tpu.dma_semaphore, #tpu.memory_space<semaphore_mem>>)
    %dma_start3A_4 = tpu.memref_slice %arg4[%mul3A_2] : memref<4194304xi32, #tpu.memory_space<hbm>> -> memref<4096xi32, #tpu.memory_space<hbm>>
    %dma_start3A_5 = tpu.memref_slice %arg4[%mul3A_2] : memref<4194304xi32, #tpu.memory_space<hbm>> -> memref<4096xi32, #tpu.memory_space<hbm>>
    tpu.enqueue_dma source(%dma_start3A_5 : memref<4096xi32, #tpu.memory_space<hbm>>) target(%arg9 : memref<4096xi32, #tpu.memory_space<vmem>>) target_semaphore(%arg15 : memref<!tpu.dma_semaphore, #tpu.memory_space<semaphore_mem>>)
    %dma_start3A_6 = tpu.memref_slice %arg5[%mul3A_2] : memref<4194304xi32, #tpu.memory_space<hbm>> -> memref<4096xi32, #tpu.memory_space<hbm>>
    %dma_start3A_7 = tpu.memref_slice %arg5[%mul3A_2] : memref<4194304xi32, #tpu.memory_space<hbm>> -> memref<4096xi32, #tpu.memory_space<hbm>>
    tpu.enqueue_dma source(%dma_start3A_7 : memref<4096xi32, #tpu.memory_space<hbm>>) target(%arg10 : memref<4096xi32, #tpu.memory_space<vmem>>) target_semaphore(%arg15 : memref<!tpu.dma_semaphore, #tpu.memory_space<semaphore_mem>>)
    tpu.wait_dma2 semaphore(%arg17 : memref<!tpu.dma_semaphore, #tpu.memory_space<semaphore_mem>>) src(%arg2 : memref<100000xi32, #tpu.memory_space<hbm>>) dst(%arg7 : memref<100000xi32, #tpu.memory_space<vmem>>)
    %broadcast_in_dim3A = arith.constant 0.000000e+00 : f32
    %broadcast_in_dim3A_8 = vector.broadcast %broadcast_in_dim3A : f32 to vector<16xf32>
    %scan3A = arith.constant 0 : i32
    %scan3A_9 = arith.constant 16 : i32
    %scan3A_10 = arith.addi %scan3A, %scan3A_9 : i32
    %scan3A_11 = arith.constant 1 : i32
    %scan3A_12 = scf.for %scan3A_29 = %scan3A to %scan3A_10 step %scan3A_11 iter_args(%scan3A_30 = %broadcast_in_dim3A_8) -> (vector<16xf32>)  : i32 {
      %mul3A_31 = arith.constant 2 : i32
      %mul3A_32 = arith.muli %scan3A_29, %mul3A_31 : i32
      %add3A_33 = arith.constant 1 : i32
      %add3A_34 = arith.addi %mul3A_32, %add3A_33 : i32
      %mul3A_35 = arith.constant 4096 : i32
      %mul3A_36 = arith.muli %add3A_34, %mul3A_35 : i32
      %add3A_37 = arith.addi %mul3A_2, %mul3A_36 : i32
      %dma_start3A_38 = tpu.memref_slice %arg3[%add3A_37] : memref<4194304xi32, #tpu.memory_space<hbm>> -> memref<4096xi32, #tpu.memory_space<hbm>>
      %dma_start3A_39 = tpu.memref_slice %arg3[%add3A_37] : memref<4194304xi32, #tpu.memory_space<hbm>> -> memref<4096xi32, #tpu.memory_space<hbm>>
      tpu.enqueue_dma source(%dma_start3A_39 : memref<4096xi32, #tpu.memory_space<hbm>>) target(%arg11 : memref<4096xi32, #tpu.memory_space<vmem>>) target_semaphore(%arg16 : memref<!tpu.dma_semaphore, #tpu.memory_space<semaphore_mem>>)
      %dma_start3A_40 = tpu.memref_slice %arg4[%add3A_37] : memref<4194304xi32, #tpu.memory_space<hbm>> -> memref<4096xi32, #tpu.memory_space<hbm>>
      %dma_start3A_41 = tpu.memref_slice %arg4[%add3A_37] : memref<4194304xi32, #tpu.memory_space<hbm>> -> memref<4096xi32, #tpu.memory_space<hbm>>
      tpu.enqueue_dma source(%dma_start3A_41 : memref<4096xi32, #tpu.memory_space<hbm>>) target(%arg12 : memref<4096xi32, #tpu.memory_space<vmem>>) target_semaphore(%arg16 : memref<!tpu.dma_semaphore, #tpu.memory_space<semaphore_mem>>)
      %dma_start3A_42 = tpu.memref_slice %arg5[%add3A_37] : memref<4194304xi32, #tpu.memory_space<hbm>> -> memref<4096xi32, #tpu.memory_space<hbm>>
      %dma_start3A_43 = tpu.memref_slice %arg5[%add3A_37] : memref<4194304xi32, #tpu.memory_space<hbm>> -> memref<4096xi32, #tpu.memory_space<hbm>>
      tpu.enqueue_dma source(%dma_start3A_43 : memref<4096xi32, #tpu.memory_space<hbm>>) target(%arg13 : memref<4096xi32, #tpu.memory_space<vmem>>) target_semaphore(%arg16 : memref<!tpu.dma_semaphore, #tpu.memory_space<semaphore_mem>>)
      %dma_wait3A_44 = arith.constant 0 : i32
      %dma_wait3A_45 = tpu.memref_slice %arg3[%dma_wait3A_44] : memref<4194304xi32, #tpu.memory_space<hbm>> -> memref<4096xi32, #tpu.memory_space<hbm>>
      %dma_wait3A_46 = arith.constant 0 : i32
      %dma_wait3A_47 = tpu.memref_slice %arg3[%dma_wait3A_46] : memref<4194304xi32, #tpu.memory_space<hbm>> -> memref<4096xi32, #tpu.memory_space<hbm>>
      tpu.wait_dma2 semaphore(%arg15 : memref<!tpu.dma_semaphore, #tpu.memory_space<semaphore_mem>>) src(%dma_wait3A_47 : memref<4096xi32, #tpu.memory_space<hbm>>) dst(%arg8 : memref<4096xi32, #tpu.memory_space<vmem>>)
      %dma_wait3A_48 = arith.constant 0 : i32
      %dma_wait3A_49 = tpu.memref_slice %arg4[%dma_wait3A_48] : memref<4194304xi32, #tpu.memory_space<hbm>> -> memref<4096xi32, #tpu.memory_space<hbm>>
      %dma_wait3A_50 = arith.constant 0 : i32
      %dma_wait3A_51 = tpu.memref_slice %arg4[%dma_wait3A_50] : memref<4194304xi32, #tpu.memory_space<hbm>> -> memref<4096xi32, #tpu.memory_space<hbm>>
      tpu.wait_dma2 semaphore(%arg15 : memref<!tpu.dma_semaphore, #tpu.memory_space<semaphore_mem>>) src(%dma_wait3A_51 : memref<4096xi32, #tpu.memory_space<hbm>>) dst(%arg9 : memref<4096xi32, #tpu.memory_space<vmem>>)
      %dma_wait3A_52 = arith.constant 0 : i32
      %dma_wait3A_53 = tpu.memref_slice %arg5[%dma_wait3A_52] : memref<4194304xi32, #tpu.memory_space<hbm>> -> memref<4096xi32, #tpu.memory_space<hbm>>
      %dma_wait3A_54 = arith.constant 0 : i32
      %dma_wait3A_55 = tpu.memref_slice %arg5[%dma_wait3A_54] : memref<4194304xi32, #tpu.memory_space<hbm>> -> memref<4096xi32, #tpu.memory_space<hbm>>
      tpu.wait_dma2 semaphore(%arg15 : memref<!tpu.dma_semaphore, #tpu.memory_space<semaphore_mem>>) src(%dma_wait3A_55 : memref<4096xi32, #tpu.memory_space<hbm>>) dst(%arg10 : memref<4096xi32, #tpu.memory_space<vmem>>)
      %parallel_loop3A = arith.constant 0 : i32
      %parallel_loop3A_56 = arith.constant 4096 : i32
      %parallel_loop3A_57 = arith.constant 16 : i32
      %parallel_loop3A_58 = scf.for %parallel_loop3A_87 = %parallel_loop3A to %parallel_loop3A_56 step %parallel_loop3A_57 iter_args(%parallel_loop3A_88 = %scan3A_30) -> (vector<16xf32>)  : i32 {
        %parallel_loop3A_89 = arith.index_cast %parallel_loop3A_87 : i32 to index
        %parallel_loop3A_90 = tpu.vector_load %arg8[%parallel_loop3A_89] {strides = array<i32>} : memref<4096xi32, #tpu.memory_space<vmem>>, vector<16xi32>,
        %parallel_loop3A_91 = arith.index_cast %parallel_loop3A_87 : i32 to index
        %parallel_loop3A_92 = tpu.vector_load %arg9[%parallel_loop3A_91] {strides = array<i32>} : memref<4096xi32, #tpu.memory_space<vmem>>, vector<16xi32>,
        %parallel_loop3A_93 = arith.index_cast %parallel_loop3A_87 : i32 to index
        %parallel_loop3A_94 = tpu.vector_load %arg10[%parallel_loop3A_93] {strides = array<i32>} : memref<4096xi32, #tpu.memory_space<vmem>>, vector<16xi32>,
        %parallel_loop3A_95 = tpu.vector_load_idx %arg7[%parallel_loop3A_90] : memref<100000xi32, #tpu.memory_space<vmem>>[vector<16xi32>], vector<16xi32>,
        %parallel_loop3A_96 = vector.bitcast %parallel_loop3A_95 : vector<16xi32> to vector<32xbf16>
        %parallel_loop3A_97 = tpu.vector_load_idx %arg7[%parallel_loop3A_92] : memref<100000xi32, #tpu.memory_space<vmem>>[vector<16xi32>], vector<16xi32>,
        %parallel_loop3A_98 = vector.bitcast %parallel_loop3A_97 : vector<16xi32> to vector<32xbf16>
        %parallel_loop3A_99 = tpu.vector_load_idx %arg7[%parallel_loop3A_94] : memref<100000xi32, #tpu.memory_space<vmem>>[vector<16xi32>], vector<16xi32>,
        %parallel_loop3A_100 = vector.bitcast %parallel_loop3A_99 : vector<16xi32> to vector<32xbf16>
        %parallel_loop3A_101 = arith.subf %parallel_loop3A_98, %parallel_loop3A_96 : vector<32xbf16>
        %parallel_loop3A_102 = vector.bitcast %parallel_loop3A_101 : vector<32xbf16> to vector<16xi32>
        %parallel_loop3A_103 = arith.constant 16 : i32
        %parallel_loop3A_104 = vector.broadcast %parallel_loop3A_103 : i32 to vector<16xi32>
        %parallel_loop3A_105 = arith.shli %parallel_loop3A_102, %parallel_loop3A_104 : vector<16xi32>
        %parallel_loop3A_106 = vector.bitcast %parallel_loop3A_105 : vector<16xi32> to vector<16xf32>
        %parallel_loop3A_107 = vector.bitcast %parallel_loop3A_102 : vector<16xi32> to vector<16xf32>
        %parallel_loop3A_108 = arith.subf %parallel_loop3A_100, %parallel_loop3A_96 : vector<32xbf16>
        %parallel_loop3A_109 = vector.bitcast %parallel_loop3A_108 : vector<32xbf16> to vector<16xi32>
        %parallel_loop3A_110 = arith.constant 16 : i32
        %parallel_loop3A_111 = vector.broadcast %parallel_loop3A_110 : i32 to vector<16xi32>
        %parallel_loop3A_112 = arith.shli %parallel_loop3A_109, %parallel_loop3A_111 : vector<16xi32>
        %parallel_loop3A_113 = vector.bitcast %parallel_loop3A_112 : vector<16xi32> to vector<16xf32>
        %parallel_loop3A_114 = vector.bitcast %parallel_loop3A_109 : vector<16xi32> to vector<16xf32>
        %parallel_loop3A_115 = arith.mulf %parallel_loop3A_106, %parallel_loop3A_113 : vector<16xf32>
        %parallel_loop3A_116 = arith.mulf %parallel_loop3A_107, %parallel_loop3A_114 : vector<16xf32>
        %parallel_loop3A_117 = arith.addf %parallel_loop3A_115, %parallel_loop3A_116 : vector<16xf32>
        %parallel_loop3A_118 = arith.mulf %parallel_loop3A_106, %parallel_loop3A_114 : vector<16xf32>
        %parallel_loop3A_119 = arith.mulf %parallel_loop3A_107, %parallel_loop3A_113 : vector<16xf32>
        %parallel_loop3A_120 = arith.subf %parallel_loop3A_118, %parallel_loop3A_119 : vector<16xf32>
        %parallel_loop3A_121 = arith.mulf %parallel_loop3A_117, %parallel_loop3A_117 : vector<16xf32>
        %parallel_loop3A_122 = arith.mulf %parallel_loop3A_120, %parallel_loop3A_120 : vector<16xf32>
        %parallel_loop3A_123 = arith.addf %parallel_loop3A_121, %parallel_loop3A_122 : vector<16xf32>
        %parallel_loop3A_124 = vector.bitcast %parallel_loop3A_123 : vector<16xf32> to vector<16xi32>
        %parallel_loop3A_125 = arith.constant 1 : i32
        %parallel_loop3A_126 = vector.broadcast %parallel_loop3A_125 : i32 to vector<16xi32>
        %parallel_loop3A_127 = arith.shrsi %parallel_loop3A_124, %parallel_loop3A_126 : vector<16xi32>
        %parallel_loop3A_128 = arith.constant 1593287602 : i32
        %parallel_loop3A_129 = vector.broadcast %parallel_loop3A_128 : i32 to vector<16xi32>
        %parallel_loop3A_130 = arith.subi %parallel_loop3A_129, %parallel_loop3A_127 : vector<16xi32>
        %parallel_loop3A_131 = vector.bitcast %parallel_loop3A_130 : vector<16xi32> to vector<16xf32>
        %parallel_loop3A_132 = arith.mulf %parallel_loop3A_131, %parallel_loop3A_131 : vector<16xf32>
        %parallel_loop3A_133 = arith.mulf %parallel_loop3A_123, %parallel_loop3A_132 : vector<16xf32>
        %parallel_loop3A_134 = arith.constant 1.501000e+00 : f32
        %parallel_loop3A_135 = vector.broadcast %parallel_loop3A_134 : f32 to vector<16xf32>
        %parallel_loop3A_136 = arith.subf %parallel_loop3A_135, %parallel_loop3A_133 : vector<16xf32>
        %parallel_loop3A_137 = arith.mulf %parallel_loop3A_131, %parallel_loop3A_136 : vector<16xf32>
        %parallel_loop3A_138 = arith.mulf %parallel_loop3A_117, %parallel_loop3A_137 : vector<16xf32>
        %parallel_loop3A_139 = arith.addf %parallel_loop3A_88, %parallel_loop3A_138 : vector<16xf32>
        scf.yield %parallel_loop3A_139 : vector<16xf32>
      } {sc.loop_unroll_factor = 4 : i64, sc.parallel_access}
      %add3A_59 = arith.constant 2 : i32
      %add3A_60 = arith.addi %mul3A_32, %add3A_59 : i32
      %min3A = arith.constant 31 : i32
      %min3A_61 = arith.minsi %add3A_60, %min3A : i32
      %mul3A_62 = arith.constant 4096 : i32
      %mul3A_63 = arith.muli %min3A_61, %mul3A_62 : i32
      %add3A_64 = arith.addi %mul3A_2, %mul3A_63 : i32
      %dma_start3A_65 = tpu.memref_slice %arg3[%add3A_64] : memref<4194304xi32, #tpu.memory_space<hbm>> -> memref<4096xi32, #tpu.memory_space<hbm>>
      %dma_start3A_66 = tpu.memref_slice %arg3[%add3A_64] : memref<4194304xi32, #tpu.memory_space<hbm>> -> memref<4096xi32, #tpu.memory_space<hbm>>
      tpu.enqueue_dma source(%dma_start3A_66 : memref<4096xi32, #tpu.memory_space<hbm>>) target(%arg8 : memref<4096xi32, #tpu.memory_space<vmem>>) target_semaphore(%arg15 : memref<!tpu.dma_semaphore, #tpu.memory_space<semaphore_mem>>)
      %dma_start3A_67 = tpu.memref_slice %arg4[%add3A_64] : memref<4194304xi32, #tpu.memory_space<hbm>> -> memref<4096xi32, #tpu.memory_space<hbm>>
      %dma_start3A_68 = tpu.memref_slice %arg4[%add3A_64] : memref<4194304xi32, #tpu.memory_space<hbm>> -> memref<4096xi32, #tpu.memory_space<hbm>>
      tpu.enqueue_dma source(%dma_start3A_68 : memref<4096xi32, #tpu.memory_space<hbm>>) target(%arg9 : memref<4096xi32, #tpu.memory_space<vmem>>) target_semaphore(%arg15 : memref<!tpu.dma_semaphore, #tpu.memory_space<semaphore_mem>>)
      %dma_start3A_69 = tpu.memref_slice %arg5[%add3A_64] : memref<4194304xi32, #tpu.memory_space<hbm>> -> memref<4096xi32, #tpu.memory_space<hbm>>
      %dma_start3A_70 = tpu.memref_slice %arg5[%add3A_64] : memref<4194304xi32, #tpu.memory_space<hbm>> -> memref<4096xi32, #tpu.memory_space<hbm>>
      tpu.enqueue_dma source(%dma_start3A_70 : memref<4096xi32, #tpu.memory_space<hbm>>) target(%arg10 : memref<4096xi32, #tpu.memory_space<vmem>>) target_semaphore(%arg15 : memref<!tpu.dma_semaphore, #tpu.memory_space<semaphore_mem>>)
      %dma_wait3A_71 = arith.constant 0 : i32
      %dma_wait3A_72 = tpu.memref_slice %arg3[%dma_wait3A_71] : memref<4194304xi32, #tpu.memory_space<hbm>> -> memref<4096xi32, #tpu.memory_space<hbm>>
      %dma_wait3A_73 = arith.constant 0 : i32
      %dma_wait3A_74 = tpu.memref_slice %arg3[%dma_wait3A_73] : memref<4194304xi32, #tpu.memory_space<hbm>> -> memref<4096xi32, #tpu.memory_space<hbm>>
      tpu.wait_dma2 semaphore(%arg16 : memref<!tpu.dma_semaphore, #tpu.memory_space<semaphore_mem>>) src(%dma_wait3A_74 : memref<4096xi32, #tpu.memory_space<hbm>>) dst(%arg11 : memref<4096xi32, #tpu.memory_space<vmem>>)
      %dma_wait3A_75 = arith.constant 0 : i32
      %dma_wait3A_76 = tpu.memref_slice %arg4[%dma_wait3A_75] : memref<4194304xi32, #tpu.memory_space<hbm>> -> memref<4096xi32, #tpu.memory_space<hbm>>
      %dma_wait3A_77 = arith.constant 0 : i32
      %dma_wait3A_78 = tpu.memref_slice %arg4[%dma_wait3A_77] : memref<4194304xi32, #tpu.memory_space<hbm>> -> memref<4096xi32, #tpu.memory_space<hbm>>
      tpu.wait_dma2 semaphore(%arg16 : memref<!tpu.dma_semaphore, #tpu.memory_space<semaphore_mem>>) src(%dma_wait3A_78 : memref<4096xi32, #tpu.memory_space<hbm>>) dst(%arg12 : memref<4096xi32, #tpu.memory_space<vmem>>)
      %dma_wait3A_79 = arith.constant 0 : i32
      %dma_wait3A_80 = tpu.memref_slice %arg5[%dma_wait3A_79] : memref<4194304xi32, #tpu.memory_space<hbm>> -> memref<4096xi32, #tpu.memory_space<hbm>>
      %dma_wait3A_81 = arith.constant 0 : i32
      %dma_wait3A_82 = tpu.memref_slice %arg5[%dma_wait3A_81] : memref<4194304xi32, #tpu.memory_space<hbm>> -> memref<4096xi32, #tpu.memory_space<hbm>>
      tpu.wait_dma2 semaphore(%arg16 : memref<!tpu.dma_semaphore, #tpu.memory_space<semaphore_mem>>) src(%dma_wait3A_82 : memref<4096xi32, #tpu.memory_space<hbm>>) dst(%arg13 : memref<4096xi32, #tpu.memory_space<vmem>>)
      %parallel_loop3A_83 = arith.constant 0 : i32
      %parallel_loop3A_84 = arith.constant 4096 : i32
      %parallel_loop3A_85 = arith.constant 16 : i32
      %parallel_loop3A_86 = scf.for %parallel_loop3A_87 = %parallel_loop3A_83 to %parallel_loop3A_84 step %parallel_loop3A_85 iter_args(%parallel_loop3A_88 = %parallel_loop3A_58) -> (vector<16xf32>)  : i32 {
        %parallel_loop3A_89 = arith.index_cast %parallel_loop3A_87 : i32 to index
        %parallel_loop3A_90 = tpu.vector_load %arg11[%parallel_loop3A_89] {strides = array<i32>} : memref<4096xi32, #tpu.memory_space<vmem>>, vector<16xi32>,
        %parallel_loop3A_91 = arith.index_cast %parallel_loop3A_87 : i32 to index
        %parallel_loop3A_92 = tpu.vector_load %arg12[%parallel_loop3A_91] {strides = array<i32>} : memref<4096xi32, #tpu.memory_space<vmem>>, vector<16xi32>,
        %parallel_loop3A_93 = arith.index_cast %parallel_loop3A_87 : i32 to index
        %parallel_loop3A_94 = tpu.vector_load %arg13[%parallel_loop3A_93] {strides = array<i32>} : memref<4096xi32, #tpu.memory_space<vmem>>, vector<16xi32>,
        %parallel_loop3A_95 = tpu.vector_load_idx %arg7[%parallel_loop3A_90] : memref<100000xi32, #tpu.memory_space<vmem>>[vector<16xi32>], vector<16xi32>,
        %parallel_loop3A_96 = vector.bitcast %parallel_loop3A_95 : vector<16xi32> to vector<32xbf16>
        %parallel_loop3A_97 = tpu.vector_load_idx %arg7[%parallel_loop3A_92] : memref<100000xi32, #tpu.memory_space<vmem>>[vector<16xi32>], vector<16xi32>,
        %parallel_loop3A_98 = vector.bitcast %parallel_loop3A_97 : vector<16xi32> to vector<32xbf16>
        %parallel_loop3A_99 = tpu.vector_load_idx %arg7[%parallel_loop3A_94] : memref<100000xi32, #tpu.memory_space<vmem>>[vector<16xi32>], vector<16xi32>,
        %parallel_loop3A_100 = vector.bitcast %parallel_loop3A_99 : vector<16xi32> to vector<32xbf16>
        %parallel_loop3A_101 = arith.subf %parallel_loop3A_98, %parallel_loop3A_96 : vector<32xbf16>
        %parallel_loop3A_102 = vector.bitcast %parallel_loop3A_101 : vector<32xbf16> to vector<16xi32>
        %parallel_loop3A_103 = arith.constant 16 : i32
        %parallel_loop3A_104 = vector.broadcast %parallel_loop3A_103 : i32 to vector<16xi32>
        %parallel_loop3A_105 = arith.shli %parallel_loop3A_102, %parallel_loop3A_104 : vector<16xi32>
        %parallel_loop3A_106 = vector.bitcast %parallel_loop3A_105 : vector<16xi32> to vector<16xf32>
        %parallel_loop3A_107 = vector.bitcast %parallel_loop3A_102 : vector<16xi32> to vector<16xf32>
        %parallel_loop3A_108 = arith.subf %parallel_loop3A_100, %parallel_loop3A_96 : vector<32xbf16>
        %parallel_loop3A_109 = vector.bitcast %parallel_loop3A_108 : vector<32xbf16> to vector<16xi32>
        %parallel_loop3A_110 = arith.constant 16 : i32
        %parallel_loop3A_111 = vector.broadcast %parallel_loop3A_110 : i32 to vector<16xi32>
        %parallel_loop3A_112 = arith.shli %parallel_loop3A_109, %parallel_loop3A_111 : vector<16xi32>
        %parallel_loop3A_113 = vector.bitcast %parallel_loop3A_112 : vector<16xi32> to vector<16xf32>
        %parallel_loop3A_114 = vector.bitcast %parallel_loop3A_109 : vector<16xi32> to vector<16xf32>
        %parallel_loop3A_115 = arith.mulf %parallel_loop3A_106, %parallel_loop3A_113 : vector<16xf32>
        %parallel_loop3A_116 = arith.mulf %parallel_loop3A_107, %parallel_loop3A_114 : vector<16xf32>
        %parallel_loop3A_117 = arith.addf %parallel_loop3A_115, %parallel_loop3A_116 : vector<16xf32>
        %parallel_loop3A_118 = arith.mulf %parallel_loop3A_106, %parallel_loop3A_114 : vector<16xf32>
        %parallel_loop3A_119 = arith.mulf %parallel_loop3A_107, %parallel_loop3A_113 : vector<16xf32>
        %parallel_loop3A_120 = arith.subf %parallel_loop3A_118, %parallel_loop3A_119 : vector<16xf32>
        %parallel_loop3A_121 = arith.mulf %parallel_loop3A_117, %parallel_loop3A_117 : vector<16xf32>
        %parallel_loop3A_122 = arith.mulf %parallel_loop3A_120, %parallel_loop3A_120 : vector<16xf32>
        %parallel_loop3A_123 = arith.addf %parallel_loop3A_121, %parallel_loop3A_122 : vector<16xf32>
        %parallel_loop3A_124 = vector.bitcast %parallel_loop3A_123 : vector<16xf32> to vector<16xi32>
        %parallel_loop3A_125 = arith.constant 1 : i32
        %parallel_loop3A_126 = vector.broadcast %parallel_loop3A_125 : i32 to vector<16xi32>
        %parallel_loop3A_127 = arith.shrsi %parallel_loop3A_124, %parallel_loop3A_126 : vector<16xi32>
        %parallel_loop3A_128 = arith.constant 1593287602 : i32
        %parallel_loop3A_129 = vector.broadcast %parallel_loop3A_128 : i32 to vector<16xi32>
        %parallel_loop3A_130 = arith.subi %parallel_loop3A_129, %parallel_loop3A_127 : vector<16xi32>
        %parallel_loop3A_131 = vector.bitcast %parallel_loop3A_130 : vector<16xi32> to vector<16xf32>
        %parallel_loop3A_132 = arith.mulf %parallel_loop3A_131, %parallel_loop3A_131 : vector<16xf32>
        %parallel_loop3A_133 = arith.mulf %parallel_loop3A_123, %parallel_loop3A_132 : vector<16xf32>
        %parallel_loop3A_134 = arith.constant 1.501000e+00 : f32
        %parallel_loop3A_135 = vector.broadcast %parallel_loop3A_134 : f32 to vector<16xf32>
        %parallel_loop3A_136 = arith.subf %parallel_loop3A_135, %parallel_loop3A_133 : vector<16xf32>
        %parallel_loop3A_137 = arith.mulf %parallel_loop3A_131, %parallel_loop3A_136 : vector<16xf32>
        %parallel_loop3A_138 = arith.mulf %parallel_loop3A_117, %parallel_loop3A_137 : vector<16xf32>
        %parallel_loop3A_139 = arith.addf %parallel_loop3A_88, %parallel_loop3A_138 : vector<16xf32>
        scf.yield %parallel_loop3A_139 : vector<16xf32>
      } {sc.loop_unroll_factor = 4 : i64, sc.parallel_access}
      scf.yield %parallel_loop3A_86 : vector<16xf32>
    }
    %scan3A_13 = arith.constant 16 : i32
    %dma_wait3A = arith.constant 0 : i32
    %dma_wait3A_14 = tpu.memref_slice %arg3[%dma_wait3A] : memref<4194304xi32, #tpu.memory_space<hbm>> -> memref<4096xi32, #tpu.memory_space<hbm>>
    %dma_wait3A_15 = arith.constant 0 : i32
    %dma_wait3A_16 = tpu.memref_slice %arg3[%dma_wait3A_15] : memref<4194304xi32, #tpu.memory_space<hbm>> -> memref<4096xi32, #tpu.memory_space<hbm>>
    tpu.wait_dma2 semaphore(%arg15 : memref<!tpu.dma_semaphore, #tpu.memory_space<semaphore_mem>>) src(%dma_wait3A_16 : memref<4096xi32, #tpu.memory_space<hbm>>) dst(%arg8 : memref<4096xi32, #tpu.memory_space<vmem>>)
    %dma_wait3A_17 = arith.constant 0 : i32
    %dma_wait3A_18 = tpu.memref_slice %arg4[%dma_wait3A_17] : memref<4194304xi32, #tpu.memory_space<hbm>> -> memref<4096xi32, #tpu.memory_space<hbm>>
    %dma_wait3A_19 = arith.constant 0 : i32
    %dma_wait3A_20 = tpu.memref_slice %arg4[%dma_wait3A_19] : memref<4194304xi32, #tpu.memory_space<hbm>> -> memref<4096xi32, #tpu.memory_space<hbm>>
    tpu.wait_dma2 semaphore(%arg15 : memref<!tpu.dma_semaphore, #tpu.memory_space<semaphore_mem>>) src(%dma_wait3A_20 : memref<4096xi32, #tpu.memory_space<hbm>>) dst(%arg9 : memref<4096xi32, #tpu.memory_space<vmem>>)
    %dma_wait3A_21 = arith.constant 0 : i32
    %dma_wait3A_22 = tpu.memref_slice %arg5[%dma_wait3A_21] : memref<4194304xi32, #tpu.memory_space<hbm>> -> memref<4096xi32, #tpu.memory_space<hbm>>
    %dma_wait3A_23 = arith.constant 0 : i32
    %dma_wait3A_24 = tpu.memref_slice %arg5[%dma_wait3A_23] : memref<4194304xi32, #tpu.memory_space<hbm>> -> memref<4096xi32, #tpu.memory_space<hbm>>
    tpu.wait_dma2 semaphore(%arg15 : memref<!tpu.dma_semaphore, #tpu.memory_space<semaphore_mem>>) src(%dma_wait3A_24 : memref<4096xi32, #tpu.memory_space<hbm>>) dst(%arg10 : memref<4096xi32, #tpu.memory_space<vmem>>)
    %mul3A_25 = arith.constant 1.41421354 : f32
    %mul3A_26 = vector.broadcast %mul3A_25 : f32 to vector<16xf32>
    %mul3A_27 = arith.mulf %scan3A_12, %mul3A_26 : vector<16xf32>
    %swap3A = arith.constant 0 : index
    %swap3A_28 = tpu.vector_load %arg14[%swap3A] {strides = array<i32>} : memref<16xf32, #tpu.memory_space<vmem>>, vector<16xf32>,
    tpu.vector_store %arg14[%swap3A], %mul3A_27 {strides = array<i32>} : memref<16xf32, #tpu.memory_space<vmem>>, vector<16xf32>,
    "tpu.region"() ({
      %run_scoped3A = tpu.sem_alloc : memref<!tpu.dma_semaphore, #tpu.memory_space<semaphore_mem>>
      %dma_start3A_29 = arith.constant 0 : i32
      %dma_start3A_30 = tpu.memref_slice %arg6[%add3A, %dma_start3A_29] : memref<32x16xf32, #tpu.memory_space<hbm>> -> memref<1x16xf32, #tpu.memory_space<hbm>>
      %dma_start3A_31 = tpu.memref_squeeze %dma_start3A_30 : memref<1x16xf32, #tpu.memory_space<hbm>> -> memref<16xf32, #tpu.memory_space<hbm>>
      %dma_start3A_32 = arith.constant 0 : i32
      %dma_start3A_33 = tpu.memref_slice %arg6[%add3A, %dma_start3A_32] : memref<32x16xf32, #tpu.memory_space<hbm>> -> memref<1x16xf32, #tpu.memory_space<hbm>>
      %dma_start3A_34 = tpu.memref_squeeze %dma_start3A_33 : memref<1x16xf32, #tpu.memory_space<hbm>> -> memref<16xf32, #tpu.memory_space<hbm>>
      tpu.enqueue_dma source(%arg14 : memref<16xf32, #tpu.memory_space<vmem>>) target(%dma_start3A_34 : memref<16xf32, #tpu.memory_space<hbm>>) target_semaphore(%run_scoped3A : memref<!tpu.dma_semaphore, #tpu.memory_space<semaphore_mem>>)
      %dma_wait3A_35 = arith.constant 0 : i32
      %dma_wait3A_36 = tpu.memref_slice %arg6[%add3A, %dma_wait3A_35] : memref<32x16xf32, #tpu.memory_space<hbm>> -> memref<1x16xf32, #tpu.memory_space<hbm>>
      %dma_wait3A_37 = tpu.memref_squeeze %dma_wait3A_36 : memref<1x16xf32, #tpu.memory_space<hbm>> -> memref<16xf32, #tpu.memory_space<hbm>>
      %dma_wait3A_38 = arith.constant 0 : i32
      %dma_wait3A_39 = tpu.memref_slice %arg6[%add3A, %dma_wait3A_38] : memref<32x16xf32, #tpu.memory_space<hbm>> -> memref<1x16xf32, #tpu.memory_space<hbm>>
      %dma_wait3A_40 = tpu.memref_squeeze %dma_wait3A_39 : memref<1x16xf32, #tpu.memory_space<hbm>> -> memref<16xf32, #tpu.memory_space<hbm>>
      tpu.wait_dma2 semaphore(%run_scoped3A : memref<!tpu.dma_semaphore, #tpu.memory_space<semaphore_mem>>) src(%arg14 : memref<16xf32, #tpu.memory_space<vmem>>) dst(%dma_wait3A_40 : memref<16xf32, #tpu.memory_space<hbm>>)
      tpu.yield
    }) : () -> ()
    return
  }
}

</mosaic_0001>

<sc_bundles>
// kernel: kernel.3.cloned.1.call-start
scs
__scs_entry_jumppad:
0x0: {  	(pc) =	sbr.rel $0x88, $3  }
0x1: {  	(tag) =	ssettag $0x0;
	lr =	simm.s32 $0x1  }
0x2: {  	[smem:$0x3F9D] =	sst lr;
	_ =	strace $0xD0000000  }
0x3: {  	_ = 	snop  }
0x4: {  	_ = 	snop  }
0x5: {  	_ = 	snop  }
0x6: {  	_ = 	snop  }
0x7: {  	_ = 	snop  }
__scs_overlays_trampoline_lowered:
0x8: {  	[smem:$0x3FAC] =	sst s0  }
0x9: {  	[smem:$0x3FAD] =	sst s1  }
0xa: {  	[smem:$0x3FAE] =	sst s2  }
0xb: {  	[smem:$0x3FAF] =	sst s3  }
0xc: {  	[smem:$0x3FB0] =	sst s4  }
0xd: {  	[smem:$0x3FB1] =	sst s5  }
0xe: {  	[smem:$0x3FB2] =	sst s6  }
0xf: {  	[smem:$0x3FB3] =	sst s7  }
0x10: {  	[smem:$0x3FB4] =	sst s8  }
0x11: {  	[smem:$0x3FB5] =	sst s9;
	s0 =	simm.s32 @!p0 $0x0  }
0x12: {  	s1 =	sld [smem:$0x3F9B];
	s0 =	simm.s32 @p0 $0x1  }
0x13: {  	[smem:$0x3FB6] =	sst s0;
	s0 =	simm.s32 @!p1 $0x0  }
0x14: {  	s2 =	sld [smem:$0x3F9A];
	s0 =	simm.s32 @p1 $0x1  }
0x15: {  	[smem:$0x3FB7] =	sst s0;
	s0 =	simm.s32 @!p2 $0x0  }
0x16: {  	s3 =	sld [smem:$0x3FDB];
	s0 =	simm.s32 @p2 $0x1  }
0x17: {  	s4 =	simm.s32 $0x1BF5;
	[smem:$0x3FB9] =	sst s0  }
0x18: {  	s0 =	sld [smem:$0x3F9C];
	_ =	swait.ge [sflag:s4], $0x0  }
0x19: {  	s7 =	sld [smem:$0x3F9D]  }
0x1a: {  	s8 =	sadd.s32 $0xFFFFE003, lr  }
0x1b: {  	s9 =	sadd.s32 $0xFFFFFEF7, lr;
	s5 =	simm.s32 $0xFFFFFFFF;
	p2 =	slt.u32 s8, $0xFFFFF086  }
0x1c: {  	p1 =	slt.u32 s9, $0xF7A;
	s5 =	simm.s32 @!p2 $0x0  }
0x1d: {  	s5 =	simm.s32 @p1 $0x1;
	p0 =	seq.s32 s7, s2  }
0x1e: {  	s7 =	smul.u32 @!p0 $0xF7A, s2;
	p2 =	seq.s32 @!p0 s5, $0x0  }
0x1f: {  	s9 =	smul.u32 $0xF7A, s1;
	s8 =	simm.s32 @!p0 $0x1BF5;
	p2 =	por !p2, p0  }
0x20: {  	[sflag:s8] =	ssyncset.s32 @!p0 $0xFFFFF086;
	s6 =	sadd.s32 @!p0 s3, s7;
	s7 =	simm.s32 @!p0 $0x108  }
0x21: {  	s3 =	sadd.s32 s3, s9;
	s6 =	sadd.s32 @!p0 $0x88, s6;
	s7 =	simm.s32 @p2 $0x1082  }
0x22: {  	[simem:s7], [sflag:s8] =	dma.local @!p0 [hbm:s6], $0xF7A  }
0x23: {  	s9 =	sor.u32 $0xD0000000, s2;
	s6 =	simm.s32 $0x108;
	_ =	swait.ge @!p0 [sflag:s8], $0x0  }
0x24: {  	s3 =	sadd.s32 $0x88, s3;
	s6 =	simm.s32 @!p1 $0x1082;
	[sflag:s4] =	ssyncset.s32 $0xFFFFF086  }
0x25: {  	[simem:s6], [sflag:s4] =	dma.local [hbm:s3], $0xF7A  }
0x26: {  	[smem:$0x3F9D] =	sst s1;
	(tag) =	ssettag s2;
	_ =	strace s9  }
0x27: {  	s1 =	sld [smem:$0x3FAD]  }
0x28: {  	s2 =	sld [smem:$0x3FAE]  }
0x29: {  	s4 =	sld [smem:$0x3FB0]  }
0x2a: {  	p0 =	seq.s32 s5, $0x0;
	s5 =	sld [smem:$0x3FB1]  }
0x2b: {  	s6 =	sld [smem:$0x3FB2]  }
0x2c: {  	s7 =	sld [smem:$0x3FB3]  }
0x2d: {  	s3 =	simm.s32 $0x108;
	s8 =	sld [smem:$0x3FB4]  }
0x2e: {  	s3 =	simm.s32 @!p0 $0x1082;
	s9 =	sld [smem:$0x3FB5]  }
0x2f: {  	lr =	sadd.s32 s0, s3;
	s0 =	sld [smem:$0x3FAC]  }
0x30: {  	s3 =	sld [smem:$0x3FAF]  }
0x31: {  	[smem:$0x3FB8] =	sst s10  }
0x32: {  	s10 =	sld [smem:$0x3FB6];
	_ =	sdelay $0x3  }
0x33: {  	p0 =	seq.s32 s10, $0x1;
	s10 =	sld [smem:$0x3FB8];
	_ =	sdelay $0x3  }
0x34: {  	[smem:$0x3FB8] =	sst s10  }
0x35: {  	s10 =	sld [smem:$0x3FB7];
	_ =	sdelay $0x3  }
0x36: {  	p1 =	seq.s32 s10, $0x1;
	s10 =	sld [smem:$0x3FB8];
	_ =	sdelay $0x3  }
0x37: {  	[smem:$0x3FB8] =	sst s10  }
0x38: {  	s10 =	sld [smem:$0x3FB9]  }
0x39: {  	_ = 	snop;
	(pc) =	sbr.ind lr, $3  }
0x3a: {  	_ = 	snop  }
0x3b: {  	_ = 	snop  }
0x3c: {  	p2 =	seq.s32 s10, $0x1;
	s10 =	sld [smem:$0x3FB8]  }
0x3d: {  	_ =	shalt  }
0x3e: {  	_ =	shalt  }
0x3f: {  	_ =	shalt  }
0x40: {  	_ =	shalt  }
0x41: {  	_ =	shalt  }
0x42: {  	_ =	shalt  }
0x43: {  	_ =	shalt  }
0x44: {  	_ =	shalt  }
0x45: {  	_ =	shalt  }
0x46: {  	_ =	shalt  }
0x47: {  	_ =	shalt  }
0x48: {  	_ =	shalt  }
0x49: {  	_ =	shalt  }
0x4a: {  	_ =	shalt  }
0x4b: {  	_ =	shalt  }
0x4c: {  	_ =	shalt  }
0x4d: {  	_ =	shalt  }
0x4e: {  	_ =	shalt  }
0x4f: {  	_ =	shalt  }
0x50: {  	_ =	shalt  }
0x51: {  	_ =	shalt  }
0x52: {  	_ =	shalt  }
0x53: {  	_ =	shalt  }
0x54: {  	_ =	shalt  }
0x55: {  	_ =	shalt  }
0x56: {  	_ =	shalt  }
0x57: {  	_ =	shalt  }
0x58: {  	_ =	shalt  }
0x59: {  	_ =	shalt  }
0x5a: {  	_ =	shalt  }
0x5b: {  	_ =	shalt  }
0x5c: {  	_ =	shalt  }
0x5d: {  	_ =	shalt  }
0x5e: {  	_ =	shalt  }
0x5f: {  	_ =	shalt  }
0x60: {  	_ =	shalt  }
0x61: {  	_ =	shalt  }
0x62: {  	_ =	shalt  }
0x63: {  	_ =	shalt  }
0x64: {  	_ =	shalt  }
0x65: {  	_ =	shalt  }
0x66: {  	_ =	shalt  }
0x67: {  	_ =	shalt  }
0x68: {  	_ =	shalt  }
0x69: {  	_ =	shalt  }
0x6a: {  	_ =	shalt  }
0x6b: {  	_ =	shalt  }
0x6c: {  	_ =	shalt  }
0x6d: {  	_ =	shalt  }
0x6e: {  	_ =	shalt  }
0x6f: {  	_ =	shalt  }
0x70: {  	_ =	shalt  }
0x71: {  	_ =	shalt  }
0x72: {  	_ =	shalt  }
0x73: {  	_ =	shalt  }
0x74: {  	_ =	shalt  }
0x75: {  	_ =	shalt  }
0x76: {  	_ =	shalt  }
0x77: {  	_ =	shalt  }
0x78: {  	_ =	shalt  }
0x79: {  	_ =	shalt  }
0x7a: {  	_ =	shalt  }
0x7b: {  	_ =	shalt  }
0x7c: {  	_ =	shalt  }
0x7d: {  	_ =	shalt  }
0x7e: {  	_ =	shalt  }
0x7f: {  	_ =	shalt  }
0x80: {  	_ =	shalt  }
0x81: {  	_ =	shalt  }
0x82: {  	_ =	shalt  }
0x83: {  	_ =	shalt  }
0x84: {  	_ =	shalt  }
0x85: {  	_ =	shalt  }
0x86: {  	_ =	shalt  }
0x87: {  	_ =	shalt  }
.Lfunc_end0:
.L_simem_size_0:
called_computation_lowered:
.L_overlay_start_0:
0x88: {  	s2 =	sld [smem:$0x3FD9]  }
0x89: {  	s3 =	sld [smem:$0x3FFE];
	_ =	sdelay $0x1  }
0x8a: {  	s1 =	srdreg.scid  }
0x8b: {  	s0 =	sand.u32 $0x1, s1  }
0x8c: {  	s17 =	sshll.u32 s0, $0xA;
	s2 =	sadd.s32 s3, s2  }
0x8d: {  	s2 =	sadd.s32 s2, s17  }
0x8e: {  	[smem:$0x3FC4] =	sst s2  }
0x8f: {  	_ = 	snop  }
0x90: {  	s2 =	sld [smem:$0x3FC8]  }
0x91: {  	s18 =	sld [smem:$0x3FC7]  }
0x92: {  	s4 =	sld [smem:$0x3FC6];
	(tm) =	ssettm $0x1  }
0x93: {  	s5 =	sld [smem:$0x3FFB];
	_ =	sdelay $0x3  }
0x94: {  	_ =	strace s5  }
0x95: {  	s5 =	sld [smem:$0x3FFC];
	_ =	sdelay $0x3  }
0x96: {  	_ =	strace s5  }
0x97: {  	s5 =	sld [smem:$0x3FFD];
	_ =	sdelay $0x3  }
0x98: {  	_ =	strace s5  }
0x99: {  	_ =	strace $0x8FFFFFFF  }
0x9a: {  	s19 =	sld [smem:$0x3FDB];
	_ =	sdelay $0x1  }
0x9b: {  	s6 =	simm.s32 $_scs_section_size  }
0x9c: {  	s7 =	simm.s32 $_size__tile_overlayer_lowered;
	s8 =	simm.s32 $_tile_overlayer_lowered  }
0x9d: {  	s22 =	simm.s32 $0x1BFF;
	s21 =	sshll.u32 s8, $0x1;
	s5 =	sadd.s32 s6, s19  }
0x9e: {  	s9 =	simm.s32 $0x0;
	s20 =	sshll.u32 s7, $0x1;
	s7 =	sadd.s32 s21, s5  }
0x9f: {  	[timem:s9], [sflag:s22] =	dma.local [hbm:s7], s20  }
0xa0: {  	_ =	swait.ge [sflag:s22], s20  }
0xa1: {  	s6 =	ssub.s32 $0x0, s20;
	[sflag:s22] =	ssyncset.done $0x0  }
0xa2: {  	[sflag:s22] =	ssyncadd.s32 s6;
	_ =	sdelay $0x1  }
0xa3: {  	s23 =	simm.s32 $0x1B8B  }
0xa4: {  	_ =	swait.ge [sflag:s23], $0x1  }
0xa5: {  	[sflag:s23] =	ssyncset.done $0x0  }
0xa6: {  	s25 =	simm.s32 $0x1B8E;
	s24 =	sld [smem:$0x3FFE];
	[sflag:s23] =	ssyncadd.s32 $0xFFFFFFFF  }
0xa7: {  	s26 =	simm.s32 $execute0_lowered;
	[smem:$0x3FD2] =	sst s25  }
0xa8: {  	s7 =	sshll.u32 s26, $0x1;
	_ =	strace $0x80000046;
	[dreg:$0x1] =	wrdreg $0xFFFFFFFF  }
0xa9: {  	s28 =	simm.s32 $_size_execute0_lowered;
	s5 =	sadd.s32 s5, s7;
	[dreg:$0x0] =	wrdreg $0x0  }
0xaa: {  	s7 =	sshll.u32 s28, $0x1;
	[dreg:$0x2] =	wrdreg s5  }
0xab: {  	[dreg:$0x3] =	wrdreg s7  }
0xac: {  	[dreg:$0x4] =	wrdreg $0xC0  }
0xad: {  	_ =	task [dreg:s9], $0x5FFFF  }
0xae: {  	[dreg:$0x1] =	wrdreg $0xFFFFFFFF  }
0xaf: {  	[dreg:$0x0] =	wrdreg $0x60  }
0xb0: {  	[dreg:$0x2] =	wrdreg s24  }
0xb1: {  	[dreg:$0x3] =	wrdreg s2  }
0xb2: {  	[dreg:$0x4] =	wrdreg s18  }
0xb3: {  	[dreg:$0x5] =	wrdreg s4  }
0xb4: {  	[dreg:$0x6] =	wrdreg $0x9  }
0xb5: {  	_ =	task.clear_ibuf [dreg:s9], $0x7FFFF;
	_ =	strace $0x90000046  }
0xb6: {  	s29 =	simm.s32 $0x9;
	_ =	strace $0x80000048  }
0xb7: {  	_ =	swait.ge [sflag:s29], $0x1  }
0xb8: {  	[sflag:s29] =	ssyncadd.s32 $0xFFFFFFFF  }
0xb9: {  	_ =	strace $0x90000048  }
0xba: {  	_ =	sfence  }
0xbb: {  	s30 =	sld [smem:$0x0];
	_ =	sdelay $0x2  }
0xbc: {  	s31 =	sshll.u32 s1, $0xD;
	s1 =	sshrl.u32 s1, $0x2  }
0xbd: {  	s3 =	sand.u32 $0x4000, s31;
	s1 =	sadd.s32 s1, s30  }
0xbe: {  	s0 =	sor.u32 s3, s0;
	s1 =	sshll.u32 s1, $0x11  }
0xbf: {  	s0 =	sor.u32 s1, s0  }
0xc0: {  	s0 =	sadd.s32 $0x8F2B, s0  }
0xc1: {  	[sflag:s0] =	ssyncadd.remote.s32 $0x1  }
0xc2: {  	_ =	sfence.sel $0xFFFF  }
0xc3: {  	[dreg:$0x0] =	wrdreg $0xFFFFFFFF;
	(pc) =	sbr.abs _section_cstart, $3  }
0xc4: {  	[dreg:$0x1] =	wrdreg $0xFFFFFFFF  }
0xc5: {  	_ =	task.clear_ibuf [dreg:s9], $0x2FFFF;
	_ =	strace $0x9FFFFFFF  }
0xc6: {  	(tm) =	ssettm $0x7FFFFFFF  }
0xc7: {  	_ =	shalt  }
tec
execute0_lowered:
.L_overlay_start_1:
0x0: {  	(tag) =	ssettag $0x1  }
0x1: {  	s1 =	rddreg [dreg:$0x0]  }
0x2: {  	s2 =	rddreg [dreg:$0x1]  }
0x3: {  	s4 =	rddreg [dreg:$0x2]  }
0x4: {  	s5 =	rddreg [dreg:$0x3]  }
0x5: {  	s0 =	rddreg [dreg:$0x4];
	s7 =	srdreg.scid  }
0x6: {  	s3 =	stileid.u32;
	s6 =	simm.s32 $0x0;
	s14 =	simm.s32 $0x18700  }
0x7: {  	s15 =	simm.s32 $0x19700;
	s16 =	simm.s32 $0x1A700;
	s17 =	simm.s32 $0x3  }
0x8: {  	s18 =	simm.s32 $0x1B700;
	s19 =	simm.s32 $0x1C700;
	s20 =	simm.s32 $0x1D700  }
0x9: {  	s21 =	simm.s32 $0x1;
	s22 =	simm.s32 $0x2;
	s23 =	simm.s32 $0x1E700  }
0xa: {  	s24 =	simm.s32 $0x4;
	s7 =	sand.u32 $0x1, s7;
	s8 =	sshll.u32 s3, $0x1  }
0xb: {  	s25 =	simm.s32 $0x0;
	[smem:$0x7FF] =	sst s6;
	s8 =	sor.u32 s7, s8  }
0xc: {  	_ =	strace $0x80000047;
	s7 =	ssub.s32 $0x2, s7;
	s9 =	sshll.u32 s8, $0x4  }
0xd: {  	s31 =	sshrl.u32 s7, $0x1;
	s10 =	sshll.u32 s8, $0xE;
	s11 =	sshll.u32 s8, $0x11  }
0xe: {  	s12 =	sadd.s32 s9, s1;
	s13 =	ssub.s32 s7, s31;
	s7 =	sadd.s32 s2, s10  }
0xf: {  	s8 =	sadd.s32 s4, s10;
	s9 =	sadd.s32 s5, s10;
	s10 =	sor.u32 $0x1000, s11  }
0x10: {  	s11 =	sor.u32 $0x2000, s11;
	s12 =	sadd.s32 $0x3200, s12;
	s13 =	smax.u32 s13, $0x1  }
.LBB2_1:
0x11: {  	[tilespmem:s6], [sflag:$0x3] =	stream.linear.gather [hbm4b:s1+s6], $0x18700, $0x38;
	[tilespmem:$0x1E780] =	vst v63  }
0x12: {  	_ = 	snop  }
0x13: {  	[tilespmem:s14], [sflag:$0x1] =	stream.linear.gather [hbm4b:s7+s6], $0x1000, $0x38;
	[tilespmem:$0x1E780] =	vst v63  }
0x14: {  	_ = 	snop  }
0x15: {  	[tilespmem:s15], [sflag:$0x1] =	stream.linear.gather [hbm4b:s8+s6], $0x1000, $0x38;
	[tilespmem:$0x1E780] =	vst v63  }
0x16: {  	_ = 	snop  }
0x17: {  	[tilespmem:s16], [sflag:$0x1] =	stream.linear.gather [hbm4b:s9+s6], $0x1000, $0x38;
	[tilespmem:$0x1E780] =	vst v63  }
0x18: {  	_ =	swait.ge [sflag:s17], $0x18700  }
0x19: {  	[sflag:s17] =	ssyncset.done $0x0  }
0x1a: {  	v0 =	vimm.f32 $0.0e+00;
	s26 =	simm.s32 $0x0;
	[sflag:s17] =	ssyncadd.s32 $0xFFFE7900  }
.LBB2_2:
0x1b: {  	s28 =	sshll.u32 s26, $0xD  }
0x1c: {  	s28 =	sadd.s32 s10, s28  }
0x1d: {  	s28 =	sshrl.u32 s28, $0x3  }
0x1e: {  	s29 =	sadd.s32 s2, s28  }
0x1f: {  	[tilespmem:s18], [sflag:$0x2] =	stream.linear.gather [hbm4b:s29+s6], $0x1000, $0x38;
	[tilespmem:$0x1E780] =	vst v63  }
0x20: {  	s29 =	sadd.s32 s4, s28  }
0x21: {  	[tilespmem:s19], [sflag:$0x2] =	stream.linear.gather [hbm4b:s29+s6], $0x1000, $0x38;
	[tilespmem:$0x1E780] =	vst v63  }
0x22: {  	s28 =	sadd.s32 s5, s28  }
0x23: {  	[tilespmem:s20], [sflag:$0x2] =	stream.linear.gather [hbm4b:s28+s6], $0x1000, $0x38;
	[tilespmem:$0x1E780] =	vst v63  }
0x24: {  	_ =	swait.ge [sflag:s21], $0x1000  }
0x25: {  	[sflag:s21] =	ssyncset.done $0x0  }
0x26: {  	[sflag:s21] =	ssyncadd.s32 $0xFFFFF000  }
0x27: {  	_ =	swait.ge [sflag:s21], $0x1000  }
0x28: {  	[sflag:s21] =	ssyncset.done $0x0  }
0x29: {  	[sflag:s21] =	ssyncadd.s32 $0xFFFFF000  }
0x2a: {  	_ =	swait.ge [sflag:s21], $0x1000  }
0x2b: {  	[sflag:s21] =	ssyncset.done $0x0  }
0x2c: {  	s28 =	simm.s32 $0x18720;
	[sflag:s21] =	ssyncadd.s32 $0xFFFFF000  }
0x2d: {  	s29 =	simm.s32 $0x19720;
	v1 =	vld [tilespmem:s28+$0x10]  }
0x2e: {  	s30 =	simm.s32 $0x1A720;
	v2 =	vld [tilespmem:s29+$0x10]  }
0x2f: {  	v3 =	vld [tilespmem:s30+$0x10]  }
0x30: {  	v4 =	vld [tilespmem:s28+$0x0]  }
0x31: {  	v5 =	vld [tilespmem:s29+$0x0]  }
0x32: {  	v6 =	vld [tilespmem:s30+$0x0]  }
0x33: {  	v7 =	vld [tilespmem:s28+$0xFFFFFFF0]  }
0x34: {  	v8 =	vld [tilespmem:s29+$0xFFFFFFF0]  }
0x35: {  	v9 =	vld [tilespmem:s30+$0xFFFFFFF0]  }
0x36: {  	v10 =	vld [tilespmem:s28+$0xFFFFFFE0]  }
0x37: {  	v11 =	vld [tilespmem:s29+$0xFFFFFFE0]  }
0x38: {  	v12 =	vld [tilespmem:s30+$0xFFFFFFE0]  }
0x39: {  	v1 =	vld.idx.msk [tilespmem:v1+s6+$0x0], $0xffff  }
0x3a: {  	v2 =	vld.idx.msk [tilespmem:v2+s6+$0x0], $0xffff  }
0x3b: {  	v3 =	vld.idx.msk [tilespmem:v3+s6+$0x0], $0xffff  }
0x3c: {  	v4 =	vld.idx.msk [tilespmem:v4+s6+$0x0], $0xffff  }
0x3d: {  	v5 =	vld.idx.msk [tilespmem:v5+s6+$0x0], $0xffff  }
0x3e: {  	v6 =	vld.idx.msk [tilespmem:v6+s6+$0x0], $0xffff  }
0x3f: {  	v7 =	vld.idx.msk [tilespmem:v7+s6+$0x0], $0xffff  }
0x40: {  	v8 =	vld.idx.msk [tilespmem:v8+s6+$0x0], $0xffff  }
0x41: {  	v9 =	vld.idx.msk [tilespmem:v9+s6+$0x0], $0xffff  }
0x42: {  	v10 =	vld.idx.msk [tilespmem:v10+s6+$0x0], $0xffff  }
0x43: {  	v11 =	vld.idx.msk [tilespmem:v11+s6+$0x0], $0xffff  }
0x44: {  	v12 =	vld.idx.msk [tilespmem:v12+s6+$0x0], $0xffff  }
0x45: {  	s30 =	simm.s32 $0x18760  }
0x46: {  	s28 =	simm.s32 $0x19760;
	v13 =	vld [tilespmem:s30+$0x10];
	v2 =	vsub.bf16 v2, v1;
	v1 =	vsub.bf16 v3, v1  }
0x47: {  	s29 =	simm.s32 $0x1A760;
	v15 =	vld [tilespmem:s28+$0x0];
	v3 =	vsub.bf16 v5, v4;
	v4 =	vsub.bf16 v6, v4  }
0x48: {  	v16 =	vld [tilespmem:s29+$0x0];
	v6 =	vsub.bf16 v8, v7;
	v7 =	vsub.bf16 v9, v7  }
0x49: {  	v20 =	vld [tilespmem:s30+$0xFFFFFFF0];
	v9 =	vsub.bf16 v11, v10;
	v10 =	vsub.bf16 v12, v10  }
0x4a: {  	v24 =	vld [tilespmem:s28+$0xFFFFFFF0];
	v12 =	vshll.u32 v2, $0x10;
	v14 =	vmul.f32 v1, v2;
	v17 =	vshll.u32 v3, $0x10  }
0x4b: {  	v27 =	vld [tilespmem:s29+$0xFFFFFFF0];
	v18 =	vmul.f32 v4, v3;
	v19 =	vshll.u32 v1, $0x10;
	v21 =	vmul.f32 v10, v9  }
0x4c: {  	v5 =	vld [tilespmem:s28+$0x10];
	v22 =	vmul.f32 v7, v6;
	v23 =	vshll.u32 v4, $0x10;
	v26 =	vmul.f32 v19, v12  }
0x4d: {  	v31 =	vld [tilespmem:s28+$0xFFFFFFE0];
	v25 =	vshll.u32 v9, $0x10;
	v12 =	vmul.f32 v12, v1;
	v28 =	vmul.f32 v23, v17  }
0x4e: {  	v11 =	vld [tilespmem:s30+$0x0];
	v30 =	vshll.u32 v6, $0x10;
	v2 =	vmul.f32 v19, v2;
	v4 =	vmul.f32 v17, v4  }
0x4f: {  	v13 =	vld.idx.msk [tilespmem:v13+s6+$0x0], $0xffff;
	v1 =	vshll.u32 v10, $0x10;
	v10 =	vmul.f32 v25, v10;
	v3 =	vmul.f32 v23, v3  }
0x50: {  	v15 =	vld.idx.msk [tilespmem:v15+s6+$0x0], $0xffff;
	v17 =	vshll.u32 v7, $0x10;
	v29 =	vmul.f32 v1, v25;
	v9 =	vmul.f32 v1, v9  }
0x51: {  	v8 =	vld [tilespmem:s29+$0x10];
	v61 =	vmul.f32 v17, v30;
	v30 =	vmul.f32 v30, v7  }
0x52: {  	v19 =	vld [tilespmem:s30+$0xFFFFFFE0];
	v6 =	vmul.f32 v17, v6;
	v1 =	vadd.f32 v26, v14;
	v3 =	vsub.f32 v4, v3  }
0x53: {  	v7 =	vadd.f32 v29, v21;
	v9 =	vsub.f32 v10, v9;
	v21 =	vld [tilespmem:s29+$0xFFFFFFE0]  }
0x54: {  	v10 =	vsub.f32 v12, v2;
	v6 =	vsub.f32 v30, v6;
	v14 =	vld.idx.msk [tilespmem:v5+s6+$0x0], $0xffff  }
0x55: {  	v62 =	vld.idx.msk [tilespmem:v20+s6+$0x0], $0xffff;
	v5 =	vadd.f32 v61, v22;
	v12 =	vmul.f32 v7, v7;
	v9 =	vmul.f32 v9, v9  }
0x56: {  	v2 =	vadd.f32 v28, v18;
	v17 =	vmul.f32 v1, v1;
	v3 =	vmul.f32 v3, v3;
	v11 =	vld.idx.msk [tilespmem:v11+s6+$0x0], $0xffff  }
0x57: {  	v18 =	vld.idx.msk [tilespmem:v16+s6+$0x0], $0xffff;
	v6 =	vmul.f32 v6, v6;
	v9 =	vadd.f32 v9, v12;
	v12 =	vmul.f32 v5, v5  }
0x58: {  	v24 =	vld.idx.msk [tilespmem:v24+s6+$0x0], $0xffff;
	v16 =	vmul.f32 v2, v2;
	v10 =	vmul.f32 v10, v10  }
0x59: {  	v8 =	vld.idx.msk [tilespmem:v8+s6+$0x0], $0xffff;
	v22 =	vadd.f32 v6, v12;
	v4 =	vsub.bf16 v14, v13;
	v14 =	vshra.s32 v9, $0x1  }
0x5a: {  	v63 =	vld.idx.msk [tilespmem:v27+s6+$0x0], $0xffff;
	v12 =	vadd.f32 v10, v17;
	v17 =	vadd.f32 v3, v16;
	v14 =	vsub.s32 $0x5EF7A3B2, v14  }
0x5b: {  	v16 =	vld.idx.msk [tilespmem:v19+s6+$0x0], $0xffff;
	v3 =	vsub.bf16 v15, v11;
	v10 =	vshra.s32 v22, $0x1;
	v6 =	vmul.f32 v14, v14  }
0x5c: {  	v20 =	vshra.s32 v12, $0x1;
	v19 =	vld.idx.msk [tilespmem:v21+s6+$0x0], $0xffff;
	v15 =	vsub.s32 $0x5EF7A3B2, v10;
	v10 =	vsub.bf16 v18, v11  }
0x5d: {  	v18 =	vld.idx.msk [tilespmem:v31+s6+$0x0], $0xffff;
	v23 =	vmul.f32 v15, v15;
	v9 =	vmul.f32 v6, v9;
	v6 =	vshra.s32 v17, $0x1  }
0x5e: {  	v8 =	vsub.bf16 v8, v13;
	v13 =	vsub.s32 $0x5EF7A3B2, v6;
	v6 =	vsub.s32 $0x5EF7A3B2, v20  }
0x5f: {  	v22 =	vmul.f32 v23, v22;
	v20 =	vsub.f32 $1.501000050e+00, v9;
	v23 =	vmul.f32 v13, v13  }
0x60: {  	s31 =	simm.s32 $0x187A0;
	s30 =	simm.s32 $0x40;
	v11 =	vsub.bf16 v63, v62;
	v9 =	vsub.bf16 v24, v62;
	v21 =	vmul.f32 v6, v6  }
.LBB2_3:
0x61: {  	v24 =	vld [tilespmem:s31+$0x10];
	s28 =	sadd.s32 $0x40, s28;
	v14 =	vmul.f32 v14, v20;
	v20 =	vsub.f32 $1.501000050e+00, v22;
	v17 =	vmul.f32 v23, v17  }
0x62: {  	v18 =	vsub.bf16 v18, v16;
	v16 =	vsub.bf16 v19, v16;
	s29 =	sadd.s32 $0x40, s29;
	v22 =	vld [tilespmem:s28+$0x10];
	v12 =	vmul.f32 v21, v12  }
0x63: {  	v19 =	vld [tilespmem:s29+$0x10];
	v7 =	vmul.f32 v14, v7;
	v14 =	vmul.f32 v15, v20;
	v15 =	vsub.f32 $1.501000050e+00, v17  }
0x64: {  	v21 =	vmul.f32 v8, v4;
	v20 =	vshll.u32 v4, $0x10;
	v17 =	vld [tilespmem:s31+$0x0];
	v12 =	vsub.f32 $1.501000050e+00, v12  }
0x65: {  	v23 =	vld [tilespmem:s28+$0x0];
	v0 =	vadd.f32 v7, v0;
	v5 =	vmul.f32 v14, v5;
	v7 =	vmul.f32 v13, v15  }
0x66: {  	v25 =	vshll.u32 v8, $0x10;
	v14 =	vshll.u32 v3, $0x10;
	v15 =	vmul.f32 v10, v3;
	v13 =	vld [tilespmem:s29+$0x0]  }
0x67: {  	v26 =	vld [tilespmem:s31+$0xFFFFFFF0];
	v0 =	vadd.f32 v5, v0;
	v2 =	vmul.f32 v7, v2;
	v5 =	vmul.f32 v6, v12  }
0x68: {  	v27 =	vshll.u32 v10, $0x10;
	v7 =	vmul.f32 v16, v18;
	v12 =	vmul.f32 v11, v9;
	v6 =	vld [tilespmem:s28+$0xFFFFFFF0]  }
0x69: {  	v29 =	vshll.u32 v18, $0x10;
	v28 =	vld [tilespmem:s29+$0xFFFFFFF0];
	v0 =	vadd.f32 v2, v0;
	v1 =	vmul.f32 v5, v1  }
0x6a: {  	v8 =	vmul.f32 v20, v8;
	v2 =	vshll.u32 v16, $0x10;
	v5 =	vmul.f32 v25, v20;
	v30 =	vld [tilespmem:s31+$0xFFFFFFE0]  }
0x6b: {  	v4 =	vmul.f32 v25, v4;
	v31 =	vmul.f32 v27, v14;
	v20 =	vld [tilespmem:s28+$0xFFFFFFE0];
	v0 =	vadd.f32 v1, v0  }
0x6c: {  	v10 =	vmul.f32 v14, v10;
	v32 =	vmul.f32 v2, v29;
	v1 =	vshll.u32 v9, $0x10;
	v25 =	vld [tilespmem:s29+$0xFFFFFFE0]  }
0x6d: {  	v16 =	vmul.f32 v29, v16;
	v2 =	vmul.f32 v2, v18;
	v18 =	vshll.u32 v11, $0x10;
	v14 =	vld.idx.msk [tilespmem:v24+s6+$0x0], $0xffff  }
0x6e: {  	v11 =	vmul.f32 v1, v11;
	v24 =	vmul.f32 v18, v1;
	v1 =	vadd.f32 v5, v21;
	v22 =	vld.idx.msk [tilespmem:v22+s6+$0x0], $0xffff  }
0x6f: {  	v9 =	vmul.f32 v18, v9;
	v7 =	vadd.f32 v32, v7;
	v2 =	vsub.f32 v16, v2;
	v19 =	vld.idx.msk [tilespmem:v19+s6+$0x0], $0xffff  }
0x70: {  	v3 =	vmul.f32 v27, v3;
	v8 =	vsub.f32 v8, v4;
	v5 =	vadd.f32 v24, v12;
	v21 =	vld.idx.msk [tilespmem:v17+s6+$0x0], $0xffff  }
0x71: {  	v4 =	vmul.f32 v7, v7;
	v9 =	vsub.f32 v11, v9;
	v12 =	vmul.f32 v2, v2;
	v23 =	vld.idx.msk [tilespmem:v23+s6+$0x0], $0xffff  }
0x72: {  	v3 =	vsub.f32 v10, v3;
	v2 =	vadd.f32 v31, v15;
	v10 =	vmul.f32 v1, v1;
	v11 =	vld.idx.msk [tilespmem:v13+s6+$0x0], $0xffff  }
0x73: {  	v9 =	vmul.f32 v9, v9;
	v13 =	vadd.f32 v12, v4;
	v12 =	vmul.f32 v5, v5;
	v24 =	vld.idx.msk [tilespmem:v26+s6+$0x0], $0xffff  }
0x74: {  	v15 =	vmul.f32 v8, v8;
	v4 =	vsub.bf16 v22, v14;
	v26 =	vld.idx.msk [tilespmem:v6+s6+$0x0], $0xffff;
	v6 =	vmul.f32 v2, v2  }
0x75: {  	v3 =	vmul.f32 v3, v3;
	v17 =	vshra.s32 v13, $0x1;
	v9 =	vadd.f32 v9, v12;
	v27 =	vld.idx.msk [tilespmem:v28+s6+$0x0], $0xffff  }
0x76: {  	s30 =	sadd.s32 $0x40, s30;
	v8 =	vsub.bf16 v19, v14;
	v12 =	vadd.f32 v15, v10;
	v14 =	vsub.s32 $0x5EF7A3B2, v17;
	v16 =	vld.idx.msk [tilespmem:v30+s6+$0x0], $0xffff  }
0x77: {  	p0 =	slt.u32 s30, $0xFC0;
	v10 =	vmul.f32 v14, v14;
	v15 =	vshra.s32 v9, $0x1;
	v17 =	vadd.f32 v3, v6;
	v18 =	vld.idx.msk [tilespmem:v20+s6+$0x0], $0xffff  }
.Ltmp0:
0x78: {  	v3 =	vsub.bf16 v23, v21;
	v6 =	vshra.s32 v12, $0x1;
	v15 =	vsub.s32 $0x5EF7A3B2, v15;
	v19 =	vld.idx.msk [tilespmem:v25+s6+$0x0], $0xffff;
	(pc) =	sbr.rel @p0 .LBB2_3-.Ltmp0, $4  }
0x79: {  	v20 =	vmul.f32 v10, v13;
	v22 =	vmul.f32 v15, v15;
	v13 =	vshra.s32 v17, $0x1  }
0x7a: {  	v6 =	vsub.s32 $0x5EF7A3B2, v6;
	v10 =	vsub.bf16 v11, v21;
	v13 =	vsub.s32 $0x5EF7A3B2, v13  }
0x7b: {  	v20 =	vsub.f32 $1.501000050e+00, v20;
	v22 =	vmul.f32 v22, v9;
	v23 =	vmul.f32 v13, v13  }
0x7c: {  	s31 =	sadd.s32 $0x40, s31;
	v21 =	vmul.f32 v6, v6;
	v9 =	vsub.bf16 v26, v24;
	v11 =	vsub.bf16 v27, v24  }
0x7d: {  	s28 =	sshll.u32 s26, $0x1  }
0x7e: {  	s28 =	smin.u32 s28, $0x1D  }
0x7f: {  	s28 =	sshll.u32 s28, $0xC  }
0x80: {  	s28 =	sadd.s32 s28, s11  }
0x81: {  	s28 =	sshrl.u32 s28, $0x3  }
0x82: {  	s29 =	sadd.s32 s2, s28  }
0x83: {  	[tilespmem:s14], [sflag:$0x1] =	stream.linear.gather [hbm4b:s29+s6], $0x1000, $0x38;
	[tilespmem:$0x1E780] =	vst v63  }
0x84: {  	v22 =	vsub.f32 $1.501000050e+00, v22;
	v17 =	vmul.f32 v23, v17;
	v14 =	vmul.f32 v14, v20;
	s29 =	sadd.s32 s4, s28  }
0x85: {  	v18 =	vsub.bf16 v18, v16;
	v16 =	vsub.bf16 v19, v16;
	v19 =	vmul.f32 v8, v4;
	[tilespmem:s15], [sflag:$0x1] =	stream.linear.gather [hbm4b:s29+s6], $0x1000, $0x38;
	[tilespmem:$0x1E780] =	vst v63  }
0x86: {  	v20 =	vshll.u32 v8, $0x10;
	v23 =	vshll.u32 v10, $0x10;
	v12 =	vmul.f32 v21, v12;
	s28 =	sadd.s32 s5, s28  }
0x87: {  	v15 =	vmul.f32 v15, v22;
	v17 =	vsub.f32 $1.501000050e+00, v17;
	v7 =	vmul.f32 v14, v7;
	[tilespmem:s16], [sflag:$0x1] =	stream.linear.gather [hbm4b:s28+s6], $0x1000, $0x38;
	[tilespmem:$0x1E780] =	vst v63  }
0x88: {  	v14 =	vshll.u32 v4, $0x10;
	v21 =	vmul.f32 v16, v18;
	v4 =	vmul.f32 v20, v4;
	_ =	swait.ge [sflag:s22], $0x1000  }
0x89: {  	v24 =	vshll.u32 v18, $0x10;
	v25 =	vmul.f32 v20, v14;
	v8 =	vmul.f32 v14, v8;
	[sflag:s22] =	ssyncset.done $0x0  }
0x8a: {  	v14 =	vshll.u32 v16, $0x10;
	v5 =	vmul.f32 v15, v5;
	v13 =	vmul.f32 v13, v17;
	[sflag:s22] =	ssyncadd.s32 $0xFFFFF000  }
0x8b: {  	v15 =	vshll.u32 v3, $0x10;
	v17 =	vmul.f32 v10, v3;
	v20 =	vmul.f32 v14, v24;
	_ =	swait.ge [sflag:s22], $0x1000  }
0x8c: {  	v14 =	vmul.f32 v14, v18;
	v26 =	vmul.f32 v23, v15;
	[sflag:s22] =	ssyncset.done $0x0  }
0x8d: {  	v27 =	vshll.u32 v9, $0x10;
	v10 =	vmul.f32 v15, v10;
	v15 =	vmul.f32 v24, v16;
	[sflag:s22] =	ssyncadd.s32 $0xFFFFF000  }
0x8e: {  	v22 =	vmul.f32 v11, v9;
	v0 =	vadd.f32 v7, v0;
	v16 =	vshll.u32 v11, $0x10;
	_ =	swait.ge [sflag:s22], $0x1000  }
0x8f: {  	v18 =	vmul.f32 v16, v27;
	v20 =	vadd.f32 v20, v21;
	v14 =	vsub.f32 v15, v14;
	[sflag:s22] =	ssyncset.done $0x0  }
0x90: {  	v11 =	vmul.f32 v27, v11;
	v19 =	vadd.f32 v25, v19;
	v9 =	vmul.f32 v16, v9;
	s28 =	simm.s32 $0x1B720;
	[sflag:s22] =	ssyncadd.s32 $0xFFFFF000  }
0x91: {  	s29 =	simm.s32 $0x1C720;
	v16 =	vadd.f32 v18, v22;
	v18 =	vmul.f32 v20, v20;
	v14 =	vmul.f32 v14, v14;
	v15 =	vld [tilespmem:s28+$0x10]  }
0x92: {  	s30 =	simm.s32 $0x1D720;
	v3 =	vmul.f32 v23, v3;
	v4 =	vsub.f32 v8, v4;
	v0 =	vadd.f32 v5, v0;
	v8 =	vld [tilespmem:s29+$0x10]  }
0x93: {  	v9 =	vsub.f32 v11, v9;
	v14 =	vadd.f32 v14, v18;
	v11 =	vld [tilespmem:s30+$0x10]  }
0x94: {  	v17 =	vadd.f32 v26, v17;
	v3 =	vsub.f32 v10, v3;
	v10 =	vmul.f32 v19, v19;
	v21 =	vld [tilespmem:s28+$0x0]  }
0x95: {  	v9 =	vmul.f32 v9, v9;
	v18 =	vmul.f32 v16, v16;
	v47 =	vshra.s32 v14, $0x1;
	v22 =	vld [tilespmem:s29+$0x0]  }
0x96: {  	v4 =	vmul.f32 v4, v4;
	v7 =	vmul.f32 v17, v17;
	v5 =	vsub.s32 $0x5EF7A3B2, v47;
	v23 =	vld [tilespmem:s30+$0x0]  }
0x97: {  	v3 =	vmul.f32 v3, v3;
	v9 =	vadd.f32 v9, v18;
	v24 =	vmul.f32 v5, v5;
	v18 =	vld [tilespmem:s28+$0xFFFFFFF0]  }
0x98: {  	v12 =	vsub.f32 $1.501000050e+00, v12;
	v4 =	vadd.f32 v4, v10;
	v10 =	vld [tilespmem:s29+$0xFFFFFFF0]  }
0x99: {  	v3 =	vadd.f32 v3, v7;
	v14 =	vmul.f32 v24, v14;
	v7 =	vld [tilespmem:s30+$0xFFFFFFF0]  }
0x9a: {  	v6 =	vmul.f32 v6, v12;
	v48 =	vshra.s32 v9, $0x1;
	v50 =	vld [tilespmem:s28+$0xFFFFFFE0]  }
0x9b: {  	v2 =	vmul.f32 v13, v2;
	v13 =	vsub.s32 $0x5EF7A3B2, v48;
	v14 =	vsub.f32 $1.501000050e+00, v14;
	v28 =	vld [tilespmem:s29+$0xFFFFFFE0]  }
0x9c: {  	v1 =	vmul.f32 v6, v1;
	v51 =	vmul.f32 v13, v13;
	v53 =	vld [tilespmem:s30+$0xFFFFFFE0];
	s30 =	simm.s32 $0x1B760  }
0x9d: {  	v49 =	vshra.s32 v4, $0x1;
	v52 =	vshra.s32 v3, $0x1;
	v5 =	vmul.f32 v5, v14;
	v14 =	vld [tilespmem:s30+$0x0]  }
0x9e: {  	v25 =	vsub.s32 $0x5EF7A3B2, v49;
	v12 =	vsub.s32 $0x5EF7A3B2, v52;
	v9 =	vmul.f32 v51, v9;
	v15 =	vld.idx.msk [tilespmem:v15+s6+$0x0], $0xffff  }
0x9f: {  	v0 =	vadd.f32 v2, v0;
	v2 =	vmul.f32 v25, v25;
	v54 =	vmul.f32 v12, v12;
	v6 =	vld.idx.msk [tilespmem:v8+s6+$0x0], $0xffff  }
0xa0: {  	v8 =	vsub.f32 $1.501000050e+00, v9;
	v9 =	vld.idx.msk [tilespmem:v11+s6+$0x0], $0xffff  }
0xa1: {  	v0 =	vadd.f32 v1, v0;
	v1 =	vmul.f32 v2, v4;
	v3 =	vmul.f32 v54, v3;
	v2 =	vld.idx.msk [tilespmem:v21+s6+$0x0], $0xffff  }
0xa2: {  	v11 =	vld.idx.msk [tilespmem:v23+s6+$0x0], $0xffff  }
0xa3: {  	v3 =	vsub.f32 $1.501000050e+00, v3;
	v4 =	vmul.f32 v5, v20;
	v5 =	vmul.f32 v13, v8;
	v8 =	vld.idx.msk [tilespmem:v22+s6+$0x0], $0xffff  }
0xa4: {  	v10 =	vld.idx.msk [tilespmem:v10+s6+$0x0], $0xffff  }
0xa5: {  	v3 =	vmul.f32 v12, v3;
	v0 =	vadd.f32 v4, v0;
	v4 =	vmul.f32 v5, v16;
	v5 =	vld.idx.msk [tilespmem:v18+s6+$0x0], $0xffff  }
0xa6: {  	v1 =	vsub.f32 $1.501000050e+00, v1;
	v12 =	vld.idx.msk [tilespmem:v53+s6+$0x0], $0xffff  }
0xa7: {  	v3 =	vmul.f32 v3, v17;
	v0 =	vadd.f32 v4, v0;
	v4 =	vld.idx.msk [tilespmem:v7+s6+$0x0], $0xffff  }
0xa8: {  	v1 =	vmul.f32 v25, v1;
	v9 =	vsub.bf16 v9, v15;
	v7 =	vld.idx.msk [tilespmem:v50+s6+$0x0], $0xffff;
	v8 =	vsub.bf16 v8, v2  }
0xa9: {  	s28 =	simm.s32 $0x1C760;
	v2 =	vsub.bf16 v11, v2;
	v0 =	vadd.f32 v3, v0;
	v3 =	vld.idx.msk [tilespmem:v28+s6+$0x0], $0xffff  }
0xaa: {  	v1 =	vmul.f32 v1, v19;
	v55 =	vld [tilespmem:s28+$0xFFFFFFF0];
	v19 =	vshll.u32 v9, $0x10;
	v10 =	vsub.bf16 v10, v5  }
0xab: {  	v29 =	vld [tilespmem:s30+$0xFFFFFFE0];
	v17 =	vshll.u32 v8, $0x10;
	v18 =	vmul.f32 v2, v8;
	v23 =	vshll.u32 v2, $0x10  }
0xac: {  	v0 =	vadd.f32 v1, v0;
	v1 =	vsub.bf16 v6, v15;
	v6 =	vld [tilespmem:s30+$0x10];
	v59 =	vmul.f32 v23, v17  }
0xad: {  	s29 =	simm.s32 $0x1D760;
	v13 =	vld [tilespmem:s28+$0x10];
	v17 =	vmul.f32 v17, v2;
	v4 =	vsub.bf16 v4, v5;
	v5 =	vsub.bf16 v12, v7  }
0xae: {  	v11 =	vld [tilespmem:s29+$0x10];
	v12 =	vmul.f32 v9, v1;
	v3 =	vsub.bf16 v3, v7;
	v7 =	vshll.u32 v1, $0x10  }
0xaf: {  	v31 =	vld [tilespmem:s28+$0xFFFFFFE0];
	v22 =	vmul.f32 v4, v10;
	v58 =	vshll.u32 v5, $0x10;
	v57 =	vmul.f32 v19, v7  }
0xb0: {  	v20 =	vld [tilespmem:s30+$0xFFFFFFF0];
	v7 =	vmul.f32 v7, v9;
	v19 =	vmul.f32 v19, v1;
	v1 =	vshll.u32 v10, $0x10  }
0xb1: {  	v16 =	vld [tilespmem:s29+$0x0];
	v21 =	vmul.f32 v5, v3;
	v56 =	vshll.u32 v3, $0x10;
	v3 =	vmul.f32 v58, v3  }
0xb2: {  	v15 =	vld [tilespmem:s28+$0x0];
	v30 =	vmul.f32 v58, v56;
	v2 =	vmul.f32 v56, v5;
	v5 =	vshll.u32 v4, $0x10  }
0xb3: {  	v9 =	vld [tilespmem:s29+$0xFFFFFFF0];
	v4 =	vmul.f32 v1, v4;
	v61 =	vmul.f32 v5, v1  }
0xb4: {  	v60 =	vld.idx.msk [tilespmem:v6+s6+$0x0], $0xffff;
	v6 =	vadd.f32 v30, v21;
	v2 =	vsub.f32 v2, v3;
	v3 =	vmul.f32 v5, v10  }
0xb5: {  	v1 =	vadd.f32 v57, v12;
	v12 =	vld.idx.msk [tilespmem:v13+s6+$0x0], $0xffff;
	v5 =	vadd.f32 v61, v22  }
0xb6: {  	v10 =	vld.idx.msk [tilespmem:v11+s6+$0x0], $0xffff;
	v11 =	vmul.f32 v6, v6;
	v13 =	vmul.f32 v2, v2;
	v3 =	vsub.f32 v4, v3  }
0xb7: {  	v62 =	vld [tilespmem:s29+$0xFFFFFFE0];
	v8 =	vmul.f32 v23, v8;
	v2 =	vadd.f32 v59, v18  }
0xb8: {  	v14 =	vld.idx.msk [tilespmem:v14+s6+$0x0], $0xffff;
	v11 =	vadd.f32 v13, v11;
	v13 =	vmul.f32 v5, v5;
	v3 =	vmul.f32 v3, v3  }
0xb9: {  	v8 =	vsub.f32 v17, v8;
	v7 =	vsub.f32 v7, v19;
	v17 =	vmul.f32 v1, v1;
	v18 =	vld.idx.msk [tilespmem:v16+s6+$0x0], $0xffff  }
0xba: {  	v15 =	vld.idx.msk [tilespmem:v15+s6+$0x0], $0xffff;
	v16 =	vmul.f32 v2, v2;
	v4 =	vsub.bf16 v12, v60;
	v21 =	vadd.f32 v3, v13  }
0xbb: {  	v24 =	vld.idx.msk [tilespmem:v55+s6+$0x0], $0xffff;
	v12 =	vmul.f32 v7, v7;
	v19 =	vshra.s32 v11, $0x1;
	v3 =	vmul.f32 v8, v8  }
0xbc: {  	v63 =	vld.idx.msk [tilespmem:v9+s6+$0x0], $0xffff;
	v7 =	vsub.bf16 v10, v60;
	v13 =	vsub.s32 $0x5EF7A3B2, v19;
	v9 =	vshra.s32 v21, $0x1  }
0xbd: {  	v23 =	vld.idx.msk [tilespmem:v20+s6+$0x0], $0xffff;
	v12 =	vadd.f32 v12, v17;
	v17 =	vadd.f32 v3, v16;
	v16 =	vsub.s32 $0x5EF7A3B2, v9  }
0xbe: {  	v10 =	vsub.bf16 v18, v14;
	v18 =	vld.idx.msk [tilespmem:v31+s6+$0x0], $0xffff;
	v8 =	vmul.f32 v13, v13;
	v19 =	vmul.f32 v16, v16  }
0xbf: {  	v3 =	vsub.bf16 v15, v14;
	v15 =	vld.idx.msk [tilespmem:v29+s6+$0x0], $0xffff  }
0xc0: {  	v11 =	vmul.f32 v8, v11;
	v8 =	vshra.s32 v17, $0x1;
	v21 =	vmul.f32 v19, v21;
	v19 =	vld.idx.msk [tilespmem:v62+s6+$0x0], $0xffff  }
0xc1: {  	v9 =	vshra.s32 v12, $0x1;
	v14 =	vsub.s32 $0x5EF7A3B2, v8  }
0xc2: {  	v8 =	vsub.s32 $0x5EF7A3B2, v9;
	v20 =	vsub.f32 $1.501000050e+00, v11;
	v22 =	vmul.f32 v14, v14  }
0xc3: {  	s31 =	simm.s32 $0x1B7A0;
	s30 =	simm.s32 $0x40;
	v9 =	vsub.bf16 v24, v23;
	v11 =	vsub.bf16 v63, v23;
	v23 =	vmul.f32 v8, v8  }
.LBB2_5:
0xc4: {  	v24 =	vld [tilespmem:s31+$0x10];
	s28 =	sadd.s32 $0x40, s28;
	v13 =	vmul.f32 v13, v20;
	v20 =	vsub.f32 $1.501000050e+00, v21;
	v17 =	vmul.f32 v22, v17  }
0xc5: {  	v18 =	vsub.bf16 v18, v15;
	v15 =	vsub.bf16 v19, v15;
	s29 =	sadd.s32 $0x40, s29;
	v21 =	vld [tilespmem:s28+$0x10];
	v12 =	vmul.f32 v23, v12  }
0xc6: {  	v19 =	vld [tilespmem:s29+$0x10];
	v6 =	vmul.f32 v13, v6;
	v13 =	vmul.f32 v16, v20;
	v16 =	vsub.f32 $1.501000050e+00, v17  }
0xc7: {  	v22 =	vmul.f32 v7, v4;
	v20 =	vshll.u32 v4, $0x10;
	v17 =	vld [tilespmem:s31+$0x0];
	v12 =	vsub.f32 $1.501000050e+00, v12  }
0xc8: {  	v23 =	vld [tilespmem:s28+$0x0];
	v0 =	vadd.f32 v6, v0;
	v5 =	vmul.f32 v13, v5;
	v6 =	vmul.f32 v14, v16  }
0xc9: {  	v25 =	vshll.u32 v7, $0x10;
	v14 =	vshll.u32 v3, $0x10;
	v16 =	vmul.f32 v10, v3;
	v13 =	vld [tilespmem:s29+$0x0]  }
0xca: {  	v26 =	vld [tilespmem:s31+$0xFFFFFFF0];
	v0 =	vadd.f32 v5, v0;
	v2 =	vmul.f32 v6, v2;
	v5 =	vmul.f32 v8, v12  }
0xcb: {  	v27 =	vshll.u32 v10, $0x10;
	v6 =	vmul.f32 v15, v18;
	v12 =	vmul.f32 v11, v9;
	v8 =	vld [tilespmem:s28+$0xFFFFFFF0]  }
0xcc: {  	v29 =	vshll.u32 v18, $0x10;
	v28 =	vld [tilespmem:s29+$0xFFFFFFF0];
	v0 =	vadd.f32 v2, v0;
	v1 =	vmul.f32 v5, v1  }
0xcd: {  	v7 =	vmul.f32 v20, v7;
	v2 =	vshll.u32 v15, $0x10;
	v5 =	vmul.f32 v25, v20;
	v30 =	vld [tilespmem:s31+$0xFFFFFFE0]  }
0xce: {  	v4 =	vmul.f32 v25, v4;
	v31 =	vmul.f32 v27, v14;
	v20 =	vld [tilespmem:s28+$0xFFFFFFE0];
	v0 =	vadd.f32 v1, v0  }
0xcf: {  	v10 =	vmul.f32 v14, v10;
	v32 =	vmul.f32 v2, v29;
	v1 =	vshll.u32 v9, $0x10;
	v25 =	vld [tilespmem:s29+$0xFFFFFFE0]  }
0xd0: {  	v15 =	vmul.f32 v29, v15;
	v2 =	vmul.f32 v2, v18;
	v18 =	vshll.u32 v11, $0x10;
	v14 =	vld.idx.msk [tilespmem:v24+s6+$0x0], $0xffff  }
0xd1: {  	v11 =	vmul.f32 v1, v11;
	v24 =	vmul.f32 v18, v1;
	v1 =	vadd.f32 v5, v22;
	v21 =	vld.idx.msk [tilespmem:v21+s6+$0x0], $0xffff  }
0xd2: {  	v9 =	vmul.f32 v18, v9;
	v6 =	vadd.f32 v32, v6;
	v2 =	vsub.f32 v15, v2;
	v19 =	vld.idx.msk [tilespmem:v19+s6+$0x0], $0xffff  }
0xd3: {  	v3 =	vmul.f32 v27, v3;
	v7 =	vsub.f32 v7, v4;
	v5 =	vadd.f32 v24, v12;
	v22 =	vld.idx.msk [tilespmem:v17+s6+$0x0], $0xffff  }
0xd4: {  	v4 =	vmul.f32 v6, v6;
	v9 =	vsub.f32 v11, v9;
	v12 =	vmul.f32 v2, v2;
	v23 =	vld.idx.msk [tilespmem:v23+s6+$0x0], $0xffff  }
0xd5: {  	v3 =	vsub.f32 v10, v3;
	v2 =	vadd.f32 v31, v16;
	v10 =	vmul.f32 v1, v1;
	v11 =	vld.idx.msk [tilespmem:v13+s6+$0x0], $0xffff  }
0xd6: {  	v9 =	vmul.f32 v9, v9;
	v24 =	vld.idx.msk [tilespmem:v26+s6+$0x0], $0xffff;
	v26 =	vadd.f32 v12, v4;
	v12 =	vmul.f32 v5, v5  }
0xd7: {  	v16 =	vmul.f32 v7, v7;
	v4 =	vsub.bf16 v21, v14;
	v27 =	vld.idx.msk [tilespmem:v8+s6+$0x0], $0xffff;
	v8 =	vmul.f32 v2, v2  }
0xd8: {  	v3 =	vmul.f32 v3, v3;
	v28 =	vld.idx.msk [tilespmem:v28+s6+$0x0], $0xffff;
	v13 =	vshra.s32 v26, $0x1;
	v9 =	vadd.f32 v9, v12  }
0xd9: {  	s30 =	sadd.s32 $0x40, s30;
	v7 =	vsub.bf16 v19, v14;
	v12 =	vadd.f32 v16, v10;
	v15 =	vld.idx.msk [tilespmem:v30+s6+$0x0], $0xffff;
	v13 =	vsub.s32 $0x5EF7A3B2, v13  }
0xda: {  	p0 =	slt.u32 s30, $0xFC0;
	v17 =	vadd.f32 v3, v8;
	v18 =	vld.idx.msk [tilespmem:v20+s6+$0x0], $0xffff;
	v10 =	vmul.f32 v13, v13;
	v14 =	vshra.s32 v9, $0x1  }
.Ltmp1:
0xdb: {  	v3 =	vsub.bf16 v23, v22;
	v8 =	vshra.s32 v12, $0x1;
	v19 =	vld.idx.msk [tilespmem:v25+s6+$0x0], $0xffff;
	v16 =	vsub.s32 $0x5EF7A3B2, v14;
	(pc) =	sbr.rel @p0 .LBB2_5-.Ltmp1, $4  }
0xdc: {  	v14 =	vshra.s32 v17, $0x1;
	v20 =	vmul.f32 v10, v26;
	v21 =	vmul.f32 v16, v16  }
0xdd: {  	v8 =	vsub.s32 $0x5EF7A3B2, v8;
	v10 =	vsub.bf16 v11, v22;
	v14 =	vsub.s32 $0x5EF7A3B2, v14  }
0xde: {  	v22 =	vmul.f32 v14, v14;
	v20 =	vsub.f32 $1.501000050e+00, v20;
	v21 =	vmul.f32 v21, v9  }
0xdf: {  	s31 =	sadd.s32 $0x40, s31;
	v23 =	vmul.f32 v8, v8;
	v11 =	vsub.bf16 v28, v24;
	v9 =	vsub.bf16 v27, v24  }
0xe0: {  	v21 =	vsub.f32 $1.501000050e+00, v21;
	v17 =	vmul.f32 v22, v17  }
0xe1: {  	v13 =	vmul.f32 v13, v20;
	v18 =	vsub.bf16 v18, v15;
	v27 =	vsub.bf16 v19, v15  }
0xe2: {  	v28 =	vshll.u32 v4, $0x10;
	v29 =	vmul.f32 v7, v4;
	v30 =	vmul.f32 v10, v3  }
0xe3: {  	v31 =	vshll.u32 v7, $0x10;
	v38 =	vshll.u32 v3, $0x10;
	v12 =	vmul.f32 v23, v12  }
0xe4: {  	v42 =	vshll.u32 v10, $0x10;
	v33 =	vmul.f32 v11, v9;
	v35 =	vmul.f32 v28, v7  }
0xe5: {  	v37 =	vmul.f32 v31, v4;
	v39 =	vshll.u32 v9, $0x10;
	v40 =	vmul.f32 v38, v10  }
0xe6: {  	v41 =	vshll.u32 v11, $0x10;
	v3 =	vmul.f32 v42, v3;
	v16 =	vmul.f32 v16, v21  }
0xe7: {  	v17 =	vsub.f32 $1.501000050e+00, v17;
	v6 =	vmul.f32 v13, v6;
	v32 =	vmul.f32 v27, v18  }
0xe8: {  	v34 =	vshll.u32 v18, $0x10;
	v13 =	vmul.f32 v31, v28;
	v43 =	vmul.f32 v39, v11  }
0xe9: {  	v36 =	vshll.u32 v27, $0x10;
	v23 =	vmul.f32 v41, v39;
	v15 =	vmul.f32 v34, v27  }
0xea: {  	v12 =	vsub.f32 $1.501000050e+00, v12;
	v22 =	vmul.f32 v36, v34;
	v18 =	vmul.f32 v36, v18  }
0xeb: {  	v44 =	vmul.f32 v41, v9;
	v4 =	vsub.f32 v35, v37;
	v3 =	vsub.f32 v40, v3  }
0xec: {  	v5 =	vmul.f32 v16, v5;
	v20 =	vadd.f32 v22, v32;
	v15 =	vsub.f32 v15, v18  }
0xed: {  	v14 =	vmul.f32 v14, v17;
	v17 =	vmul.f32 v42, v38;
	v45 =	vadd.f32 v23, v33  }
0xee: {  	v9 =	vsub.f32 v43, v44;
	v46 =	vmul.f32 v20, v20;
	v47 =	vmul.f32 v15, v15  }
0xef: {  	v13 =	vadd.f32 v13, v29;
	v4 =	vmul.f32 v4, v4;
	v48 =	vadd.f32 v17, v30  }
0xf0: {  	v50 =	vmul.f32 v45, v45;
	v9 =	vmul.f32 v9, v9;
	v7 =	vadd.f32 v47, v46  }
0xf1: {  	v0 =	vadd.f32 v6, v0;
	v3 =	vmul.f32 v3, v3;
	v49 =	vmul.f32 v13, v13  }
0xf2: {  	v51 =	vmul.f32 v48, v48;
	v9 =	vadd.f32 v9, v50;
	v52 =	vshra.s32 v7, $0x1  }
0xf3: {  	v8 =	vmul.f32 v8, v12;
	v4 =	vadd.f32 v4, v49;
	v53 =	vsub.s32 $0x5EF7A3B2, v52  }
0xf4: {  	v55 =	vshra.s32 v9, $0x1;
	v3 =	vadd.f32 v3, v51;
	v54 =	vmul.f32 v53, v53  }
0xf5: {  	v0 =	vadd.f32 v5, v0;
	v57 =	vshra.s32 v4, $0x1;
	v56 =	vsub.s32 $0x5EF7A3B2, v55  }
0xf6: {  	v58 =	vmul.f32 v56, v56;
	v59 =	vshra.s32 v3, $0x1;
	v7 =	vmul.f32 v54, v7  }
0xf7: {  	v2 =	vmul.f32 v14, v2;
	v14 =	vsub.s32 $0x5EF7A3B2, v57;
	v60 =	vsub.s32 $0x5EF7A3B2, v59  }
0xf8: {  	v9 =	vmul.f32 v58, v9;
	v61 =	vmul.f32 v60, v60;
	v7 =	vsub.f32 $1.501000050e+00, v7  }
0xf9: {  	v1 =	vmul.f32 v8, v1;
	v0 =	vadd.f32 v2, v0;
	v2 =	vmul.f32 v14, v14  }
0xfa: {  	v62 =	vsub.f32 $1.501000050e+00, v9;
	v3 =	vmul.f32 v61, v3;
	v5 =	vmul.f32 v53, v7  }
0xfb: {  	v0 =	vadd.f32 v1, v0;
	v1 =	vmul.f32 v2, v4  }
0xfc: {  	v63 =	vmul.f32 v56, v62;
	v3 =	vsub.f32 $1.501000050e+00, v3;
	v2 =	vmul.f32 v5, v20  }
0xfd: {  	v1 =	vsub.f32 $1.501000050e+00, v1  }
0xfe: {  	s26 =	sadd.s32 $0x1, s26;
	v3 =	vmul.f32 v60, v3;
	v0 =	vadd.f32 v2, v0;
	v2 =	vmul.f32 v63, v45  }
0xff: {  	p0 =	sne.s32 s26, $0x10  }
.Ltmp2:
0x100: {  	v1 =	vmul.f32 v14, v1;
	v0 =	vadd.f32 v2, v0;
	v2 =	vmul.f32 v3, v48;
	(pc) =	sbr.rel @p0 .LBB2_2-.Ltmp2, $3  }
0x101: {  	_ = 	snop  }
0x102: {  	v1 =	vmul.f32 v1, v13;
	v0 =	vadd.f32 v2, v0;
	_ =	sdelay $0x1  }
0x103: {  	v0 =	vadd.f32 v1, v0  }
0x104: {  	_ =	swait.ge [sflag:s21], $0x1000  }
0x105: {  	[sflag:s21] =	ssyncset.done $0x0  }
0x106: {  	[sflag:s21] =	ssyncadd.s32 $0xFFFFF000  }
0x107: {  	_ =	swait.ge [sflag:s21], $0x1000  }
0x108: {  	[sflag:s21] =	ssyncset.done $0x0  }
0x109: {  	[sflag:s21] =	ssyncadd.s32 $0xFFFFF000  }
0x10a: {  	_ =	swait.ge [sflag:s21], $0x1000  }
0x10b: {  	s25 =	sadd.s32 $0x1, s25;
	v0 =	vmul.f32 $1.414213540e+00, v0;
	[sflag:s21] =	ssyncset.done $0x0  }
0x10c: {  	p0 =	sne.s32 s25, s13;
	[sflag:s21] =	ssyncadd.s32 $0xFFFFF000  }
.Ltmp3:
0x10d: {  	[tilespmem:$0x1E700] =	vst v0;
	(pc) =	sbr.rel @p0 .LBB2_1-.Ltmp3, $4  }
0x10e: {  	[hbm4b:s12+s6] =	stream.linear.scatter [tilespmem:s23], [sflag:$0x4], $0x80, $0x38;
	[tilespmem:$0x1E780] =	vst v63  }
0x10f: {  	_ =	swait.ge [sflag:s24], $0x80  }
0x110: {  	[sflag:s24] =	ssyncset.done $0x0  }
0x111: {  	[sflag:s24] =	ssyncadd.s32 $0xFFFFFF80  }
0x112: {  	_ =	sfence.sel $0x180000  }
0x113: {  	[bflag:$0x0] =	sbarrier.arrive $0xFFFF  }
0x114: {  	p0 =	sne.s32 s3, $0x0;
	_ =	strace $0x90000047  }
0x115: {  	s0 =	sadd.s32 @!p0 $0x100000, s0;
	[bflag:$0x2] =	sbarrier.arrive $0xFFFF  }
0x116: {  	[sflag:s0] =	ssyncadd.tile.s32 @!p0 $0x1;
	_ =	shalt  }
.Lfunc_end2:
_tile_overlayer_lowered:
.L_overlay_start_2:
0x117: {  	(tag) =	ssettag $0x2  }
0x118: {  	s0 =	rddreg [dreg:$0x0];
	s2 =	stileid.u32  }
0x119: {  	s1 =	rddreg [dreg:$0x1];
	p0 =	sne.s32 s2, $0x0  }
0x11a: {  	s3 =	rddreg [dreg:$0x2];
	[bflag:$0x3] =	sbarrier.arrive $0xFFFF;
	s2 =	simm.s32 @!p0 $0x1C04  }
0x11b: {  	[timem:s3], [sflag:s2] =	dma.local @!p0 [hbm:s0], s1  }
0x11c: {  	s0 =	simm.s32 @!p0 $0x4  }
0x11d: {  	_ =	swait.ge @!p0 [sflag:s0], s1  }
0x11e: {  	s1 =	ssub.s32 @!p0 $0x0, s1;
	[sflag:s0] =	ssyncset.done @!p0 $0x0  }
0x11f: {  	[sflag:s0] =	ssyncadd.s32 @!p0 s1  }
0x120: {  	[bflag:$0x3] =	sbarrier.arrive $0xFFFF  }
0x121: {  	_ =	shalt  }

</sc_bundles>
